<compile_context>
chip_gen: v7x
topology: tpu7x:2x2x1
jax: 0.10.2.dev20260603
libtpu: 0.0.44.dev20260713+nightly
codegen_flags: <defaults>
</compile_context>

<pallas_src>
import functools

import jax
import jax.numpy as jnp
from jax import lax
from jax.experimental import pallas as pl
from jax.experimental.pallas import tpu as pltpu
from jax.experimental.pallas import tpu_sc as plsc

E = 64
T = 2048
D = 1024
I = 512
BLK = 256


def _moe_body(offs_ref, x_ref, w_ref, gu_hbm, dn_hbm, y_ref,
              gu_buf, dn_buf, gu_sem, dn_sem):
    e = pl.program_id(0)
    NBUF = 3
    slot = lax.rem(e, NBUF)
    nxt = lax.rem(e + 2, NBUF)

    def _start(idx, s):
        pltpu.make_async_copy(
            gu_hbm.at[idx, pl.ds(0, I)], gu_buf.at[s, pl.ds(0, I)],
            gu_sem.at[s, 0]).start()
        pltpu.make_async_copy(
            gu_hbm.at[idx, pl.ds(I, I)], gu_buf.at[s, pl.ds(I, I)],
            gu_sem.at[s, 1]).start()
        pltpu.make_async_copy(
            dn_hbm.at[idx, pl.ds(0, I)], dn_buf.at[s, pl.ds(0, I)],
            dn_sem.at[s, 0]).start()
        pltpu.make_async_copy(
            dn_hbm.at[idx, pl.ds(I, I)], dn_buf.at[s, pl.ds(I, I)],
            dn_sem.at[s, 1]).start()

    @pl.when(e == 0)
    def _prime():
        _start(0, 0)
        _start(1, 1)

    @pl.when(e + 2 < E)
    def _prefetch():
        _start(e + 2, nxt)

    pltpu.make_async_copy(
        gu_hbm.at[e, pl.ds(0, I)], gu_buf.at[slot, pl.ds(0, I)],
        gu_sem.at[slot, 0]).wait()
    pltpu.make_async_copy(
        gu_hbm.at[e, pl.ds(I, I)], gu_buf.at[slot, pl.ds(I, I)],
        gu_sem.at[slot, 1]).wait()
    pltpu.make_async_copy(
        dn_hbm.at[e, pl.ds(0, I)], dn_buf.at[slot, pl.ds(0, I)],
        dn_sem.at[slot, 0]).wait()
    pltpu.make_async_copy(
        dn_hbm.at[e, pl.ds(I, I)], dn_buf.at[slot, pl.ds(I, I)],
        dn_sem.at[slot, 1]).wait()

    start = offs_ref[e]
    end = offs_ref[e + 1]

    @pl.when(end > start)
    def _work():
        gu_w = gu_buf[slot]
        dn_w = dn_buf[slot]
        b0 = start // BLK
        nb = (end - 1) // BLK - b0 + 1

        def body(i, carry):
            r0 = (b0 + i) * BLK
            x = x_ref[pl.ds(r0, BLK), :]
            g1 = lax.dot_general(
                x, gu_w, (((1,), (1,)), ((), ())),
                preferred_element_type=jnp.float32,
            )
            gate = g1[:, :I]
            up = g1[:, I:]
            act = gate * jax.nn.sigmoid(gate) * up
            y2 = lax.dot_general(
                act, dn_w, (((1,), (1,)), ((), ())),
                preferred_element_type=jnp.float32,
            )
            rows = r0 + lax.broadcasted_iota(jnp.int32, (BLK, 1), 0)
            scale = jnp.where(
                (rows >= start) & (rows < end), w_ref[pl.ds(r0, BLK), :], 0.0
            )
            contrib = y2 * scale

            def _first_write():
                y_ref[pl.ds(r0, BLK), :] = contrib

            def _accumulate():
                y_ref[pl.ds(r0, BLK), :] += contrib

            lax.cond(r0 >= start, _first_write, _accumulate)
            return carry

        lax.fori_loop(0, nb, body, 0)


def _grouped_mlp(offsets, x_sorted, w_sorted, gate_up_proj, down_proj):
    grid_spec = pltpu.PrefetchScalarGridSpec(
        num_scalar_prefetch=1,
        grid=(E,),
        in_specs=[
            pl.BlockSpec((T, D), lambda e, offs: (0, 0)),
            pl.BlockSpec((T, 1), lambda e, offs: (0, 0)),
            pl.BlockSpec(memory_space=pl.ANY),
            pl.BlockSpec(memory_space=pl.ANY),
        ],
        out_specs=pl.BlockSpec((T, D), lambda e, offs: (0, 0)),
        scratch_shapes=[
            pltpu.VMEM((3, 2 * I, D), jnp.float32),
            pltpu.VMEM((3, D, I), jnp.float32),
            pltpu.SemaphoreType.DMA((3, 2)),
            pltpu.SemaphoreType.DMA((3, 2)),
        ],
    )
    return pl.pallas_call(
        _moe_body,
        grid_spec=grid_spec,
        out_shape=jax.ShapeDtypeStruct((T, D), jnp.float32),
    )(offsets, x_sorted, w_sorted, gate_up_proj, down_proj)


def _sc_mesh_info():
    info = plsc.get_sparse_core_info()
    nc, ns = info.num_cores, info.num_subcores
    b_per_w = T // (nc * ns)
    mesh = plsc.VectorSubcoreMesh(core_axis_name="c", subcore_axis_name="s")
    return nc, b_per_w, mesh


def _make_sc_row_gather():
    nc, b_per_w, mesh = _sc_mesh_info()

    @functools.partial(
        pl.kernel,
        out_type=jax.ShapeDtypeStruct((T, D), jnp.float32),
        mesh=mesh,
        scratch_types=[
            pltpu.VMEM((b_per_w,), jnp.int32),
            pltpu.VMEM((b_per_w, D), jnp.float32),
            pltpu.SemaphoreType.DMA,
        ],
    )
    def sc_gather(table_hbm, idx_hbm, out_hbm, idx_v, rows_v, sem):
        wid = lax.axis_index("s") * nc + lax.axis_index("c")
        base = wid * b_per_w
        pltpu.sync_copy(idx_hbm.at[pl.ds(base, b_per_w)], idx_v)
        pltpu.async_copy(table_hbm.at[idx_v], rows_v, sem).wait()
        pltpu.sync_copy(rows_v, out_hbm.at[pl.ds(base, b_per_w)])

    return sc_gather


def _make_sc_row_scatter():
    nc, b_per_w, mesh = _sc_mesh_info()

    @functools.partial(
        pl.kernel,
        out_type=jax.ShapeDtypeStruct((T, D), jnp.float32),
        mesh=mesh,
        scratch_types=[
            pltpu.VMEM((b_per_w,), jnp.int32),
            pltpu.VMEM((b_per_w, D), jnp.float32),
            pltpu.SemaphoreType.DMA,
        ],
    )
    def sc_scatter(rows_hbm, idx_hbm, out_hbm, idx_v, rows_v, sem):
        wid = lax.axis_index("s") * nc + lax.axis_index("c")
        base = wid * b_per_w
        pltpu.sync_copy(idx_hbm.at[pl.ds(base, b_per_w)], idx_v)
        pltpu.sync_copy(rows_hbm.at[pl.ds(base, b_per_w)], rows_v)
        pltpu.async_copy(rows_v, out_hbm.at[idx_v], sem).wait()

    return sc_scatter


def kernel(hidden_states, top_k_index, top_k_weights, gate_up_proj, down_proj):
    eid = top_k_index[:, 0].astype(jnp.int32)
    eid_sorted, sort_idx, w_sorted = lax.sort(
        (eid, jnp.arange(T, dtype=jnp.int32), top_k_weights[:, 0]), num_keys=1
    )
    offsets = jnp.searchsorted(
        eid_sorted, jnp.arange(E + 1, dtype=jnp.int32), side="left"
    ).astype(jnp.int32)

    x_sorted = _make_sc_row_gather()(hidden_states, sort_idx)
    y_sorted = _grouped_mlp(
        offsets, x_sorted, w_sorted.reshape(T, 1), gate_up_proj, down_proj
    )
    return _make_sc_row_scatter()(y_sorted, sort_idx)

# --- scband reference (transcript-rebuilt; emitter-appended) ---
"""Pipeline reference for scband-patched-deepseek-v3-naive-moe-2336462209361 (READ-ONLY COPY).

The authoritative reference and input builder live on the scoring server;
editing this copy changes nothing except your own understanding.
"""

import jax, jax.numpy as jnp
import numpy as np

E = 64
TOP_K = 1
T = 2048
D = 1024
I = 512


def setup_inputs(seed: int = 0) -> dict:
    key = jax.random.key(seed)
    k1, k2, k3, k4, k5 = jax.random.split(key, 5)
    hidden_states = jax.random.normal(k1, (T, D), dtype=jnp.float32)
    top_k_index = jax.random.randint(k2, (T, TOP_K), 0, E, dtype=jnp.int32)
    top_k_weights = jax.random.uniform(k3, (T, TOP_K), dtype=jnp.float32)
    gate_up_proj = jax.random.normal(k4, (E, 2 * I, D), dtype=jnp.float32) * 0.02
    down_proj = jax.random.normal(k5, (E, D, I), dtype=jnp.float32) * 0.02
    return {
        "hidden_states": hidden_states,
        "top_k_index": top_k_index,
        "top_k_weights": top_k_weights,
        "gate_up_proj": gate_up_proj,
        "down_proj": down_proj,
    }


def reference(hidden_states, top_k_index, top_k_weights, gate_up_proj, down_proj):
    # Faithful eager-path translation of PatchedDeepseekV3NaiveMoe.forward.
    num_experts = gate_up_proj.shape[0]
    final_hidden_states = jnp.zeros_like(hidden_states)
    for expert_idx in range(num_experts):
        # torch builds expert_mask permuted to [E, K, T]; where() yields (top_k_pos, token_idx)
        mask = top_k_index == expert_idx  # [T, K]
        selected = jnp.any(mask, axis=-1)  # [T]
        coef = jnp.sum(jnp.where(mask, top_k_weights, 0.0), axis=-1)  # [T]
        gu = hidden_states @ gate_up_proj[expert_idx].T
        gate, up = jnp.split(gu, 2, axis=-1)
        current_hidden_states = jax.nn.silu(gate) * up
        current_hidden_states = current_hidden_states @ down_proj[expert_idx].T
        current_hidden_states = current_hidden_states * coef[:, None]
        final_hidden_states = jnp.where(
            selected[:, None],
            final_hidden_states + current_hidden_states.astype(final_hidden_states.dtype),
            final_hidden_states,
        )
    return final_hidden_states

if __name__ == "__main__":
    import jax
    _d = setup_inputs()
    print(jax.jit(kernel)(*tuple(_d.values())))

</pallas_src>

<mosaic_0001>
#map = affine_map<(d0, d1) -> (0, 0)>
#map1 = affine_map<(d0, d1) -> (0)>
module attributes {stable_mosaic.version = 14 : i64} {
  func.func @sc_gather(%arg0: i32, %arg1: i32, %arg2: memref<2048x1024xf32, #tpu.memory_space<hbm>>, %arg3: memref<2048xi32, #tpu.memory_space<hbm>>, %arg4: memref<2048x1024xf32, #tpu.memory_space<hbm>>, %arg5: memref<64xi32, #tpu.memory_space<vmem>>, %arg6: memref<64x1024xf32, #tpu.memory_space<vmem>>, %arg7: memref<!tpu.dma_semaphore, #tpu.memory_space<semaphore_mem>>) attributes {dimension_semantics = [#tpu.dimension_semantics<core_parallel>, #tpu.dimension_semantics<subcore_parallel>], iteration_bounds = array<i64: 2, 16>, scalar_prefetch = 0 : i64, scratch_operands = 3 : i64, tpu.core_type = #tpu.core_type<sc_vector_subcore>, window_params = [{transform_indices = #map}, {transform_indices = #map1}, {transform_indices = #map}]} {
    %mul3A = arith.constant 2 : i32
    %mul3A_0 = arith.muli %arg1, %mul3A : i32
    %add3A = arith.addi %mul3A_0, %arg0 : i32
    %mul3A_1 = arith.constant 64 : i32
    %mul3A_2 = arith.muli %add3A, %mul3A_1 : i32
    "tpu.region"() ({
      %run_scoped3A = tpu.sem_alloc : memref<!tpu.dma_semaphore, #tpu.memory_space<semaphore_mem>>
      %dma_start3A_7 = tpu.memref_slice %arg3[%mul3A_2] : memref<2048xi32, #tpu.memory_space<hbm>> -> memref<64xi32, #tpu.memory_space<hbm>>
      %dma_start3A_8 = tpu.memref_slice %arg3[%mul3A_2] : memref<2048xi32, #tpu.memory_space<hbm>> -> memref<64xi32, #tpu.memory_space<hbm>>
      tpu.enqueue_dma source(%dma_start3A_8 : memref<64xi32, #tpu.memory_space<hbm>>) target(%arg5 : memref<64xi32, #tpu.memory_space<vmem>>) target_semaphore(%run_scoped3A : memref<!tpu.dma_semaphore, #tpu.memory_space<semaphore_mem>>)
      %dma_wait3A_9 = tpu.memref_slice %arg3[%mul3A_2] : memref<2048xi32, #tpu.memory_space<hbm>> -> memref<64xi32, #tpu.memory_space<hbm>>
      %dma_wait3A_10 = tpu.memref_slice %arg3[%mul3A_2] : memref<2048xi32, #tpu.memory_space<hbm>> -> memref<64xi32, #tpu.memory_space<hbm>>
      tpu.wait_dma2 semaphore(%run_scoped3A : memref<!tpu.dma_semaphore, #tpu.memory_space<semaphore_mem>>) src(%dma_wait3A_10 : memref<64xi32, #tpu.memory_space<hbm>>) dst(%arg5 : memref<64xi32, #tpu.memory_space<vmem>>)
      tpu.yield
    }) : () -> ()
    %dma_start3A = arith.constant 0 : i32
    %dma_start3A_3 = arith.constant 0 : i32
    %dma_start3A_4 = tpu.memref_slice %arg2[%dma_start3A, %dma_start3A_3] : memref<2048x1024xf32, #tpu.memory_space<hbm>> -> memref<2048x1024xf32, #tpu.memory_space<hbm>>
    tpu.enqueue_indirect_dma source(%dma_start3A_4 : memref<2048x1024xf32, #tpu.memory_space<hbm>>) target(%arg6 : memref<64x1024xf32, #tpu.memory_space<vmem>>) offsets(%arg5 : memref<64xi32, #tpu.memory_space<vmem>>) semaphore(%arg7 : memref<!tpu.dma_semaphore, #tpu.memory_space<semaphore_mem>>)
    %dma_wait3A = arith.constant 0 : i32
    %dma_wait3A_5 = arith.constant 0 : i32
    %dma_wait3A_6 = tpu.memref_slice %arg2[%dma_wait3A, %dma_wait3A_5] : memref<2048x1024xf32, #tpu.memory_space<hbm>> -> memref<2048x1024xf32, #tpu.memory_space<hbm>>
    tpu.wait_indirect_dma semaphore(%arg7 : memref<!tpu.dma_semaphore, #tpu.memory_space<semaphore_mem>>) src(%dma_wait3A_6 : memref<2048x1024xf32, #tpu.memory_space<hbm>>) dst(%arg6 : memref<64x1024xf32, #tpu.memory_space<vmem>>)
    "tpu.region"() ({
      %run_scoped3A = tpu.sem_alloc : memref<!tpu.dma_semaphore, #tpu.memory_space<semaphore_mem>>
      %dma_start3A_7 = arith.constant 0 : i32
      %dma_start3A_8 = tpu.memref_slice %arg4[%mul3A_2, %dma_start3A_7] : memref<2048x1024xf32, #tpu.memory_space<hbm>> -> memref<64x1024xf32, #tpu.memory_space<hbm>>
      %dma_start3A_9 = arith.constant 0 : i32
      %dma_start3A_10 = tpu.memref_slice %arg4[%mul3A_2, %dma_start3A_9] : memref<2048x1024xf32, #tpu.memory_space<hbm>> -> memref<64x1024xf32, #tpu.memory_space<hbm>>
      tpu.enqueue_dma source(%arg6 : memref<64x1024xf32, #tpu.memory_space<vmem>>) target(%dma_start3A_10 : memref<64x1024xf32, #tpu.memory_space<hbm>>) target_semaphore(%run_scoped3A : memref<!tpu.dma_semaphore, #tpu.memory_space<semaphore_mem>>)
      %dma_wait3A_11 = arith.constant 0 : i32
      %dma_wait3A_12 = tpu.memref_slice %arg4[%mul3A_2, %dma_wait3A_11] : memref<2048x1024xf32, #tpu.memory_space<hbm>> -> memref<64x1024xf32, #tpu.memory_space<hbm>>
      %dma_wait3A_13 = arith.constant 0 : i32
      %dma_wait3A_14 = tpu.memref_slice %arg4[%mul3A_2, %dma_wait3A_13] : memref<2048x1024xf32, #tpu.memory_space<hbm>> -> memref<64x1024xf32, #tpu.memory_space<hbm>>
      tpu.wait_dma2 semaphore(%run_scoped3A : memref<!tpu.dma_semaphore, #tpu.memory_space<semaphore_mem>>) src(%arg6 : memref<64x1024xf32, #tpu.memory_space<vmem>>) dst(%dma_wait3A_14 : memref<64x1024xf32, #tpu.memory_space<hbm>>)
      tpu.yield
    }) : () -> ()
    return
  }
}

#map = affine_map<(d0, d1) -> (0, 0)>
#map1 = affine_map<(d0, d1) -> (0)>
module attributes {stable_mosaic.version = 14 : i64} {
  func.func @sc_scatter(%arg0: i32, %arg1: i32, %arg2: memref<2048x1024xf32, #tpu.memory_space<hbm>>, %arg3: memref<2048xi32, #tpu.memory_space<hbm>>, %arg4: memref<2048x1024xf32, #tpu.memory_space<hbm>>, %arg5: memref<64xi32, #tpu.memory_space<vmem>>, %arg6: memref<64x1024xf32, #tpu.memory_space<vmem>>, %arg7: memref<!tpu.dma_semaphore, #tpu.memory_space<semaphore_mem>>) attributes {dimension_semantics = [#tpu.dimension_semantics<core_parallel>, #tpu.dimension_semantics<subcore_parallel>], iteration_bounds = array<i64: 2, 16>, scalar_prefetch = 0 : i64, scratch_operands = 3 : i64, tpu.core_type = #tpu.core_type<sc_vector_subcore>, window_params = [{transform_indices = #map}, {transform_indices = #map1}, {transform_indices = #map}]} {
    %mul3A = arith.constant 2 : i32
    %mul3A_0 = arith.muli %arg1, %mul3A : i32
    %add3A = arith.addi %mul3A_0, %arg0 : i32
    %mul3A_1 = arith.constant 64 : i32
    %mul3A_2 = arith.muli %add3A, %mul3A_1 : i32
    "tpu.region"() ({
      %run_scoped3A = tpu.sem_alloc : memref<!tpu.dma_semaphore, #tpu.memory_space<semaphore_mem>>
      %dma_start3A_7 = tpu.memref_slice %arg3[%mul3A_2] : memref<2048xi32, #tpu.memory_space<hbm>> -> memref<64xi32, #tpu.memory_space<hbm>>
      %dma_start3A_8 = tpu.memref_slice %arg3[%mul3A_2] : memref<2048xi32, #tpu.memory_space<hbm>> -> memref<64xi32, #tpu.memory_space<hbm>>
      tpu.enqueue_dma source(%dma_start3A_8 : memref<64xi32, #tpu.memory_space<hbm>>) target(%arg5 : memref<64xi32, #tpu.memory_space<vmem>>) target_semaphore(%run_scoped3A : memref<!tpu.dma_semaphore, #tpu.memory_space<semaphore_mem>>)
      %dma_wait3A_9 = tpu.memref_slice %arg3[%mul3A_2] : memref<2048xi32, #tpu.memory_space<hbm>> -> memref<64xi32, #tpu.memory_space<hbm>>
      %dma_wait3A_10 = tpu.memref_slice %arg3[%mul3A_2] : memref<2048xi32, #tpu.memory_space<hbm>> -> memref<64xi32, #tpu.memory_space<hbm>>
      tpu.wait_dma2 semaphore(%run_scoped3A : memref<!tpu.dma_semaphore, #tpu.memory_space<semaphore_mem>>) src(%dma_wait3A_10 : memref<64xi32, #tpu.memory_space<hbm>>) dst(%arg5 : memref<64xi32, #tpu.memory_space<vmem>>)
      tpu.yield
    }) : () -> ()
    "tpu.region"() ({
      %run_scoped3A = tpu.sem_alloc : memref<!tpu.dma_semaphore, #tpu.memory_space<semaphore_mem>>
      %dma_start3A_7 = arith.constant 0 : i32
      %dma_start3A_8 = tpu.memref_slice %arg2[%mul3A_2, %dma_start3A_7] : memref<2048x1024xf32, #tpu.memory_space<hbm>> -> memref<64x1024xf32, #tpu.memory_space<hbm>>
      %dma_start3A_9 = arith.constant 0 : i32
      %dma_start3A_10 = tpu.memref_slice %arg2[%mul3A_2, %dma_start3A_9] : memref<2048x1024xf32, #tpu.memory_space<hbm>> -> memref<64x1024xf32, #tpu.memory_space<hbm>>
      tpu.enqueue_dma source(%dma_start3A_10 : memref<64x1024xf32, #tpu.memory_space<hbm>>) target(%arg6 : memref<64x1024xf32, #tpu.memory_space<vmem>>) target_semaphore(%run_scoped3A : memref<!tpu.dma_semaphore, #tpu.memory_space<semaphore_mem>>)
      %dma_wait3A_11 = arith.constant 0 : i32
      %dma_wait3A_12 = tpu.memref_slice %arg2[%mul3A_2, %dma_wait3A_11] : memref<2048x1024xf32, #tpu.memory_space<hbm>> -> memref<64x1024xf32, #tpu.memory_space<hbm>>
      %dma_wait3A_13 = arith.constant 0 : i32
      %dma_wait3A_14 = tpu.memref_slice %arg2[%mul3A_2, %dma_wait3A_13] : memref<2048x1024xf32, #tpu.memory_space<hbm>> -> memref<64x1024xf32, #tpu.memory_space<hbm>>
      tpu.wait_dma2 semaphore(%run_scoped3A : memref<!tpu.dma_semaphore, #tpu.memory_space<semaphore_mem>>) src(%dma_wait3A_14 : memref<64x1024xf32, #tpu.memory_space<hbm>>) dst(%arg6 : memref<64x1024xf32, #tpu.memory_space<vmem>>)
      tpu.yield
    }) : () -> ()
    %dma_start3A = arith.constant 0 : i32
    %dma_start3A_3 = arith.constant 0 : i32
    %dma_start3A_4 = tpu.memref_slice %arg4[%dma_start3A, %dma_start3A_3] : memref<2048x1024xf32, #tpu.memory_space<hbm>> -> memref<2048x1024xf32, #tpu.memory_space<hbm>>
    tpu.enqueue_indirect_dma source(%arg6 : memref<64x1024xf32, #tpu.memory_space<vmem>>) target(%dma_start3A_4 : memref<2048x1024xf32, #tpu.memory_space<hbm>>) offsets(%arg5 : memref<64xi32, #tpu.memory_space<vmem>>) semaphore(%arg7 : memref<!tpu.dma_semaphore, #tpu.memory_space<semaphore_mem>>)
    %dma_wait3A = arith.constant 0 : i32
    %dma_wait3A_5 = arith.constant 0 : i32
    %dma_wait3A_6 = tpu.memref_slice %arg4[%dma_wait3A, %dma_wait3A_5] : memref<2048x1024xf32, #tpu.memory_space<hbm>> -> memref<2048x1024xf32, #tpu.memory_space<hbm>>
    tpu.wait_indirect_dma semaphore(%arg7 : memref<!tpu.dma_semaphore, #tpu.memory_space<semaphore_mem>>) src(%arg6 : memref<64x1024xf32, #tpu.memory_space<vmem>>) dst(%dma_wait3A_6 : memref<2048x1024xf32, #tpu.memory_space<hbm>>)
    return
  }
}

module attributes {stable_mosaic.version = 14 : i64} {
  func.func @_moe_body(%arg0: i32, %arg1: memref<65xi32, #tpu.memory_space<smem>>, %arg2: memref<2048x1024xf32, #tpu.memory_space<vmem>>, %arg3: memref<2048x1xf32, #tpu.memory_space<vmem>>, %arg4: memref<64x1024x1024xf32, #tpu.memory_space<any>>, %arg5: memref<64x1024x512xf32, #tpu.memory_space<any>>, %arg6: memref<2048x1024xf32, #tpu.memory_space<vmem>>, %arg7: memref<3x1024x1024xf32, #tpu.memory_space<vmem>>, %arg8: memref<3x1024x512xf32, #tpu.memory_space<vmem>>, %arg9: memref<3x2x!tpu.dma_semaphore, #tpu.memory_space<semaphore_mem>>, %arg10: memref<3x2x!tpu.dma_semaphore, #tpu.memory_space<semaphore_mem>>) attributes {dimension_semantics = [#tpu.dimension_semantics<arbitrary>], iteration_bounds = array<i64: 64>, scalar_prefetch = 1 : i64, scratch_operands = 4 : i64, tpu.core_type = #tpu.core_type<tc>, window_params = [{pipeline_mode = #tpu.pipeline_mode<synchronous>, transform_indices = @transform_0, window_bounds = array<i64: 2048, 1024>}, {pipeline_mode = #tpu.pipeline_mode<synchronous>, transform_indices = @transform_1, window_bounds = array<i64: 2048, 1>}, {}, {}, {pipeline_mode = #tpu.pipeline_mode<synchronous>, transform_indices = @transform_4, window_bounds = array<i64: 2048, 1024>}]} {
    %rem3A = arith.constant 3 : i32
    %rem3A_0 = arith.remsi %arg0, %rem3A : i32
    %add3A = arith.constant 2 : i32
    %add3A_1 = arith.addi %arg0, %add3A : i32
    %rem3A_2 = arith.constant 3 : i32
    %rem3A_3 = arith.remsi %add3A_1, %rem3A_2 : i32
    %eq3A = arith.constant 0 : i32
    %eq3A_4 = arith.cmpi eq, %arg0, %eq3A : i32
    %convert_element_type3A = arith.extui %eq3A_4 : i1 to i32
    %cond3A = arith.constant 0 : i32
    %cond3A_5 = arith.cmpi ne, %convert_element_type3A, %cond3A : i32
    scf.if %cond3A_5 {
      %dma_start3A = arith.constant 0 : i32
      %dma_start3A_63 = arith.constant 0 : i32
      %dma_start3A_64 = arith.constant 0 : i32
      %dma_start3A_65 = arith.constant 0 : i32
      %dma_start3A_66 = tpu.memref_slice %arg9[%dma_start3A_64, %dma_start3A_65] : memref<3x2x!tpu.dma_semaphore, #tpu.memory_space<semaphore_mem>> -> memref<1x1x!tpu.dma_semaphore, #tpu.memory_space<semaphore_mem>>
      %dma_start3A_67 = tpu.memref_squeeze %dma_start3A_66 : memref<1x1x!tpu.dma_semaphore, #tpu.memory_space<semaphore_mem>> -> memref<!tpu.dma_semaphore, #tpu.memory_space<semaphore_mem>>
      %dma_start3A_68 = arith.constant 0 : i32
      %dma_start3A_69 = arith.constant 0 : i32
      %dma_start3A_70 = tpu.memref_slice %arg7[%dma_start3A_63, %dma_start3A_68, %dma_start3A_69] : memref<3x1024x1024xf32, #tpu.memory_space<vmem>> -> memref<1x512x1024xf32, #tpu.memory_space<vmem>>
      %dma_start3A_71 = tpu.memref_squeeze %dma_start3A_70 : memref<1x512x1024xf32, #tpu.memory_space<vmem>> -> memref<512x1024xf32, #tpu.memory_space<vmem>>
      %dma_start3A_72 = arith.constant 0 : i32
      %dma_start3A_73 = arith.constant 0 : i32
      %dma_start3A_74 = tpu.memref_slice %arg4[%dma_start3A, %dma_start3A_72, %dma_start3A_73] : memref<64x1024x1024xf32, #tpu.memory_space<any>> -> memref<1x512x1024xf32, #tpu.memory_space<any>>
      %dma_start3A_75 = tpu.memref_squeeze %dma_start3A_74 : memref<1x512x1024xf32, #tpu.memory_space<any>> -> memref<512x1024xf32, #tpu.memory_space<any>>
      tpu.enqueue_dma source(%dma_start3A_75 : memref<512x1024xf32, #tpu.memory_space<any>>) target(%dma_start3A_71 : memref<512x1024xf32, #tpu.memory_space<vmem>>) target_semaphore(%dma_start3A_67 : memref<!tpu.dma_semaphore, #tpu.memory_space<semaphore_mem>>)
      %dma_start3A_76 = arith.constant 0 : i32
      %dma_start3A_77 = arith.constant 0 : i32
      %dma_start3A_78 = arith.constant 0 : i32
      %dma_start3A_79 = arith.constant 1 : i32
      %dma_start3A_80 = tpu.memref_slice %arg9[%dma_start3A_78, %dma_start3A_79] : memref<3x2x!tpu.dma_semaphore, #tpu.memory_space<semaphore_mem>> -> memref<1x1x!tpu.dma_semaphore, #tpu.memory_space<semaphore_mem>>
      %dma_start3A_81 = tpu.memref_squeeze %dma_start3A_80 : memref<1x1x!tpu.dma_semaphore, #tpu.memory_space<semaphore_mem>> -> memref<!tpu.dma_semaphore, #tpu.memory_space<semaphore_mem>>
      %dma_start3A_82 = arith.constant 512 : i32
      %dma_start3A_83 = arith.constant 0 : i32
      %dma_start3A_84 = tpu.memref_slice %arg7[%dma_start3A_77, %dma_start3A_82, %dma_start3A_83] : memref<3x1024x1024xf32, #tpu.memory_space<vmem>> -> memref<1x512x1024xf32, #tpu.memory_space<vmem>>
      %dma_start3A_85 = tpu.memref_squeeze %dma_start3A_84 : memref<1x512x1024xf32, #tpu.memory_space<vmem>> -> memref<512x1024xf32, #tpu.memory_space<vmem>>
      %dma_start3A_86 = arith.constant 512 : i32
      %dma_start3A_87 = arith.constant 0 : i32
      %dma_start3A_88 = tpu.memref_slice %arg4[%dma_start3A_76, %dma_start3A_86, %dma_start3A_87] : memref<64x1024x1024xf32, #tpu.memory_space<any>> -> memref<1x512x1024xf32, #tpu.memory_space<any>>
      %dma_start3A_89 = tpu.memref_squeeze %dma_start3A_88 : memref<1x512x1024xf32, #tpu.memory_space<any>> -> memref<512x1024xf32, #tpu.memory_space<any>>
      tpu.enqueue_dma source(%dma_start3A_89 : memref<512x1024xf32, #tpu.memory_space<any>>) target(%dma_start3A_85 : memref<512x1024xf32, #tpu.memory_space<vmem>>) target_semaphore(%dma_start3A_81 : memref<!tpu.dma_semaphore, #tpu.memory_space<semaphore_mem>>)
      %dma_start3A_90 = arith.constant 0 : i32
      %dma_start3A_91 = arith.constant 0 : i32
      %dma_start3A_92 = arith.constant 0 : i32
      %dma_start3A_93 = arith.constant 0 : i32
      %dma_start3A_94 = tpu.memref_slice %arg10[%dma_start3A_92, %dma_start3A_93] : memref<3x2x!tpu.dma_semaphore, #tpu.memory_space<semaphore_mem>> -> memref<1x1x!tpu.dma_semaphore, #tpu.memory_space<semaphore_mem>>
      %dma_start3A_95 = tpu.memref_squeeze %dma_start3A_94 : memref<1x1x!tpu.dma_semaphore, #tpu.memory_space<semaphore_mem>> -> memref<!tpu.dma_semaphore, #tpu.memory_space<semaphore_mem>>
      %dma_start3A_96 = arith.constant 0 : i32
      %dma_start3A_97 = arith.constant 0 : i32
      %dma_start3A_98 = tpu.memref_slice %arg8[%dma_start3A_91, %dma_start3A_96, %dma_start3A_97] : memref<3x1024x512xf32, #tpu.memory_space<vmem>> -> memref<1x512x512xf32, #tpu.memory_space<vmem>>
      %dma_start3A_99 = tpu.memref_squeeze %dma_start3A_98 : memref<1x512x512xf32, #tpu.memory_space<vmem>> -> memref<512x512xf32, #tpu.memory_space<vmem>>
      %dma_start3A_100 = arith.constant 0 : i32
      %dma_start3A_101 = arith.constant 0 : i32
      %dma_start3A_102 = tpu.memref_slice %arg5[%dma_start3A_90, %dma_start3A_100, %dma_start3A_101] : memref<64x1024x512xf32, #tpu.memory_space<any>> -> memref<1x512x512xf32, #tpu.memory_space<any>>
      %dma_start3A_103 = tpu.memref_squeeze %dma_start3A_102 : memref<1x512x512xf32, #tpu.memory_space<any>> -> memref<512x512xf32, #tpu.memory_space<any>>
      tpu.enqueue_dma source(%dma_start3A_103 : memref<512x512xf32, #tpu.memory_space<any>>) target(%dma_start3A_99 : memref<512x512xf32, #tpu.memory_space<vmem>>) target_semaphore(%dma_start3A_95 : memref<!tpu.dma_semaphore, #tpu.memory_space<semaphore_mem>>)
      %dma_start3A_104 = arith.constant 0 : i32
      %dma_start3A_105 = arith.constant 0 : i32
      %dma_start3A_106 = arith.constant 0 : i32
      %dma_start3A_107 = arith.constant 1 : i32
      %dma_start3A_108 = tpu.memref_slice %arg10[%dma_start3A_106, %dma_start3A_107] : memref<3x2x!tpu.dma_semaphore, #tpu.memory_space<semaphore_mem>> -> memref<1x1x!tpu.dma_semaphore, #tpu.memory_space<semaphore_mem>>
      %dma_start3A_109 = tpu.memref_squeeze %dma_start3A_108 : memref<1x1x!tpu.dma_semaphore, #tpu.memory_space<semaphore_mem>> -> memref<!tpu.dma_semaphore, #tpu.memory_space<semaphore_mem>>
      %dma_start3A_110 = arith.constant 512 : i32
      %dma_start3A_111 = arith.constant 0 : i32
      %dma_start3A_112 = tpu.memref_slice %arg8[%dma_start3A_105, %dma_start3A_110, %dma_start3A_111] : memref<3x1024x512xf32, #tpu.memory_space<vmem>> -> memref<1x512x512xf32, #tpu.memory_space<vmem>>
      %dma_start3A_113 = tpu.memref_squeeze %dma_start3A_112 : memref<1x512x512xf32, #tpu.memory_space<vmem>> -> memref<512x512xf32, #tpu.memory_space<vmem>>
      %dma_start3A_114 = arith.constant 512 : i32
      %dma_start3A_115 = arith.constant 0 : i32
      %dma_start3A_116 = tpu.memref_slice %arg5[%dma_start3A_104, %dma_start3A_114, %dma_start3A_115] : memref<64x1024x512xf32, #tpu.memory_space<any>> -> memref<1x512x512xf32, #tpu.memory_space<any>>
      %dma_start3A_117 = tpu.memref_squeeze %dma_start3A_116 : memref<1x512x512xf32, #tpu.memory_space<any>> -> memref<512x512xf32, #tpu.memory_space<any>>
      tpu.enqueue_dma source(%dma_start3A_117 : memref<512x512xf32, #tpu.memory_space<any>>) target(%dma_start3A_113 : memref<512x512xf32, #tpu.memory_space<vmem>>) target_semaphore(%dma_start3A_109 : memref<!tpu.dma_semaphore, #tpu.memory_space<semaphore_mem>>)
      %dma_start3A_118 = arith.constant 1 : i32
      %dma_start3A_119 = arith.constant 1 : i32
      %dma_start3A_120 = arith.constant 1 : i32
      %dma_start3A_121 = arith.constant 0 : i32
      %dma_start3A_122 = tpu.memref_slice %arg9[%dma_start3A_120, %dma_start3A_121] : memref<3x2x!tpu.dma_semaphore, #tpu.memory_space<semaphore_mem>> -> memref<1x1x!tpu.dma_semaphore, #tpu.memory_space<semaphore_mem>>
      %dma_start3A_123 = tpu.memref_squeeze %dma_start3A_122 : memref<1x1x!tpu.dma_semaphore, #tpu.memory_space<semaphore_mem>> -> memref<!tpu.dma_semaphore, #tpu.memory_space<semaphore_mem>>
      %dma_start3A_124 = arith.constant 0 : i32
      %dma_start3A_125 = arith.constant 0 : i32
      %dma_start3A_126 = tpu.memref_slice %arg7[%dma_start3A_119, %dma_start3A_124, %dma_start3A_125] : memref<3x1024x1024xf32, #tpu.memory_space<vmem>> -> memref<1x512x1024xf32, #tpu.memory_space<vmem>>
      %dma_start3A_127 = tpu.memref_squeeze %dma_start3A_126 : memref<1x512x1024xf32, #tpu.memory_space<vmem>> -> memref<512x1024xf32, #tpu.memory_space<vmem>>
      %dma_start3A_128 = arith.constant 0 : i32
      %dma_start3A_129 = arith.constant 0 : i32
      %dma_start3A_130 = tpu.memref_slice %arg4[%dma_start3A_118, %dma_start3A_128, %dma_start3A_129] : memref<64x1024x1024xf32, #tpu.memory_space<any>> -> memref<1x512x1024xf32, #tpu.memory_space<any>>
      %dma_start3A_131 = tpu.memref_squeeze %dma_start3A_130 : memref<1x512x1024xf32, #tpu.memory_space<any>> -> memref<512x1024xf32, #tpu.memory_space<any>>
      tpu.enqueue_dma source(%dma_start3A_131 : memref<512x1024xf32, #tpu.memory_space<any>>) target(%dma_start3A_127 : memref<512x1024xf32, #tpu.memory_space<vmem>>) target_semaphore(%dma_start3A_123 : memref<!tpu.dma_semaphore, #tpu.memory_space<semaphore_mem>>)
      %dma_start3A_132 = arith.constant 1 : i32
      %dma_start3A_133 = arith.constant 1 : i32
      %dma_start3A_134 = arith.constant 1 : i32
      %dma_start3A_135 = arith.constant 1 : i32
      %dma_start3A_136 = tpu.memref_slice %arg9[%dma_start3A_134, %dma_start3A_135] : memref<3x2x!tpu.dma_semaphore, #tpu.memory_space<semaphore_mem>> -> memref<1x1x!tpu.dma_semaphore, #tpu.memory_space<semaphore_mem>>
      %dma_start3A_137 = tpu.memref_squeeze %dma_start3A_136 : memref<1x1x!tpu.dma_semaphore, #tpu.memory_space<semaphore_mem>> -> memref<!tpu.dma_semaphore, #tpu.memory_space<semaphore_mem>>
      %dma_start3A_138 = arith.constant 512 : i32
      %dma_start3A_139 = arith.constant 0 : i32
      %dma_start3A_140 = tpu.memref_slice %arg7[%dma_start3A_133, %dma_start3A_138, %dma_start3A_139] : memref<3x1024x1024xf32, #tpu.memory_space<vmem>> -> memref<1x512x1024xf32, #tpu.memory_space<vmem>>
      %dma_start3A_141 = tpu.memref_squeeze %dma_start3A_140 : memref<1x512x1024xf32, #tpu.memory_space<vmem>> -> memref<512x1024xf32, #tpu.memory_space<vmem>>
      %dma_start3A_142 = arith.constant 512 : i32
      %dma_start3A_143 = arith.constant 0 : i32
      %dma_start3A_144 = tpu.memref_slice %arg4[%dma_start3A_132, %dma_start3A_142, %dma_start3A_143] : memref<64x1024x1024xf32, #tpu.memory_space<any>> -> memref<1x512x1024xf32, #tpu.memory_space<any>>
      %dma_start3A_145 = tpu.memref_squeeze %dma_start3A_144 : memref<1x512x1024xf32, #tpu.memory_space<any>> -> memref<512x1024xf32, #tpu.memory_space<any>>
      tpu.enqueue_dma source(%dma_start3A_145 : memref<512x1024xf32, #tpu.memory_space<any>>) target(%dma_start3A_141 : memref<512x1024xf32, #tpu.memory_space<vmem>>) target_semaphore(%dma_start3A_137 : memref<!tpu.dma_semaphore, #tpu.memory_space<semaphore_mem>>)
      %dma_start3A_146 = arith.constant 1 : i32
      %dma_start3A_147 = arith.constant 1 : i32
      %dma_start3A_148 = arith.constant 1 : i32
      %dma_start3A_149 = arith.constant 0 : i32
      %dma_start3A_150 = tpu.memref_slice %arg10[%dma_start3A_148, %dma_start3A_149] : memref<3x2x!tpu.dma_semaphore, #tpu.memory_space<semaphore_mem>> -> memref<1x1x!tpu.dma_semaphore, #tpu.memory_space<semaphore_mem>>
      %dma_start3A_151 = tpu.memref_squeeze %dma_start3A_150 : memref<1x1x!tpu.dma_semaphore, #tpu.memory_space<semaphore_mem>> -> memref<!tpu.dma_semaphore, #tpu.memory_space<semaphore_mem>>
      %dma_start3A_152 = arith.constant 0 : i32
      %dma_start3A_153 = arith.constant 0 : i32
      %dma_start3A_154 = tpu.memref_slice %arg8[%dma_start3A_147, %dma_start3A_152, %dma_start3A_153] : memref<3x1024x512xf32, #tpu.memory_space<vmem>> -> memref<1x512x512xf32, #tpu.memory_space<vmem>>
      %dma_start3A_155 = tpu.memref_squeeze %dma_start3A_154 : memref<1x512x512xf32, #tpu.memory_space<vmem>> -> memref<512x512xf32, #tpu.memory_space<vmem>>
      %dma_start3A_156 = arith.constant 0 : i32
      %dma_start3A_157 = arith.constant 0 : i32
      %dma_start3A_158 = tpu.memref_slice %arg5[%dma_start3A_146, %dma_start3A_156, %dma_start3A_157] : memref<64x1024x512xf32, #tpu.memory_space<any>> -> memref<1x512x512xf32, #tpu.memory_space<any>>
      %dma_start3A_159 = tpu.memref_squeeze %dma_start3A_158 : memref<1x512x512xf32, #tpu.memory_space<any>> -> memref<512x512xf32, #tpu.memory_space<any>>
      tpu.enqueue_dma source(%dma_start3A_159 : memref<512x512xf32, #tpu.memory_space<any>>) target(%dma_start3A_155 : memref<512x512xf32, #tpu.memory_space<vmem>>) target_semaphore(%dma_start3A_151 : memref<!tpu.dma_semaphore, #tpu.memory_space<semaphore_mem>>)
      %dma_start3A_160 = arith.constant 1 : i32
      %dma_start3A_161 = arith.constant 1 : i32
      %dma_start3A_162 = arith.constant 1 : i32
      %dma_start3A_163 = arith.constant 1 : i32
      %dma_start3A_164 = tpu.memref_slice %arg10[%dma_start3A_162, %dma_start3A_163] : memref<3x2x!tpu.dma_semaphore, #tpu.memory_space<semaphore_mem>> -> memref<1x1x!tpu.dma_semaphore, #tpu.memory_space<semaphore_mem>>
      %dma_start3A_165 = tpu.memref_squeeze %dma_start3A_164 : memref<1x1x!tpu.dma_semaphore, #tpu.memory_space<semaphore_mem>> -> memref<!tpu.dma_semaphore, #tpu.memory_space<semaphore_mem>>
      %dma_start3A_166 = arith.constant 512 : i32
      %dma_start3A_167 = arith.constant 0 : i32
      %dma_start3A_168 = tpu.memref_slice %arg8[%dma_start3A_161, %dma_start3A_166, %dma_start3A_167] : memref<3x1024x512xf32, #tpu.memory_space<vmem>> -> memref<1x512x512xf32, #tpu.memory_space<vmem>>
      %dma_start3A_169 = tpu.memref_squeeze %dma_start3A_168 : memref<1x512x512xf32, #tpu.memory_space<vmem>> -> memref<512x512xf32, #tpu.memory_space<vmem>>
      %dma_start3A_170 = arith.constant 512 : i32
      %dma_start3A_171 = arith.constant 0 : i32
      %dma_start3A_172 = tpu.memref_slice %arg5[%dma_start3A_160, %dma_start3A_170, %dma_start3A_171] : memref<64x1024x512xf32, #tpu.memory_space<any>> -> memref<1x512x512xf32, #tpu.memory_space<any>>
      %dma_start3A_173 = tpu.memref_squeeze %dma_start3A_172 : memref<1x512x512xf32, #tpu.memory_space<any>> -> memref<512x512xf32, #tpu.memory_space<any>>
      tpu.enqueue_dma source(%dma_start3A_173 : memref<512x512xf32, #tpu.memory_space<any>>) target(%dma_start3A_169 : memref<512x512xf32, #tpu.memory_space<vmem>>) target_semaphore(%dma_start3A_165 : memref<!tpu.dma_semaphore, #tpu.memory_space<semaphore_mem>>)
    } else {
    }
    %add3A_6 = arith.constant 2 : i32
    %add3A_7 = arith.addi %arg0, %add3A_6 : i32
    %lt3A = arith.constant 64 : i32
    %lt3A_8 = arith.cmpi slt, %add3A_7, %lt3A : i32
    %convert_element_type3A_9 = arith.extui %lt3A_8 : i1 to i32
    %cond3A_10 = arith.constant 0 : i32
    %cond3A_11 = arith.cmpi ne, %convert_element_type3A_9, %cond3A_10 : i32
    scf.if %cond3A_11 {
      %add3A_63 = arith.constant 2 : i32
      %add3A_64 = arith.addi %arg0, %add3A_63 : i32
      %dma_start3A = arith.constant 0 : i32
      %dma_start3A_65 = tpu.memref_slice %arg9[%rem3A_3, %dma_start3A] : memref<3x2x!tpu.dma_semaphore, #tpu.memory_space<semaphore_mem>> -> memref<1x1x!tpu.dma_semaphore, #tpu.memory_space<semaphore_mem>>
      %dma_start3A_66 = tpu.memref_squeeze %dma_start3A_65 : memref<1x1x!tpu.dma_semaphore, #tpu.memory_space<semaphore_mem>> -> memref<!tpu.dma_semaphore, #tpu.memory_space<semaphore_mem>>
      %dma_start3A_67 = arith.constant 0 : i32
      %dma_start3A_68 = arith.constant 0 : i32
      %dma_start3A_69 = tpu.memref_slice %arg7[%rem3A_3, %dma_start3A_67, %dma_start3A_68] : memref<3x1024x1024xf32, #tpu.memory_space<vmem>> -> memref<1x512x1024xf32, #tpu.memory_space<vmem>>
      %dma_start3A_70 = tpu.memref_squeeze %dma_start3A_69 : memref<1x512x1024xf32, #tpu.memory_space<vmem>> -> memref<512x1024xf32, #tpu.memory_space<vmem>>
      %dma_start3A_71 = arith.constant 0 : i32
      %dma_start3A_72 = arith.constant 0 : i32
      %dma_start3A_73 = tpu.memref_slice %arg4[%add3A_64, %dma_start3A_71, %dma_start3A_72] : memref<64x1024x1024xf32, #tpu.memory_space<any>> -> memref<1x512x1024xf32, #tpu.memory_space<any>>
      %dma_start3A_74 = tpu.memref_squeeze %dma_start3A_73 : memref<1x512x1024xf32, #tpu.memory_space<any>> -> memref<512x1024xf32, #tpu.memory_space<any>>
      tpu.enqueue_dma source(%dma_start3A_74 : memref<512x1024xf32, #tpu.memory_space<any>>) target(%dma_start3A_70 : memref<512x1024xf32, #tpu.memory_space<vmem>>) target_semaphore(%dma_start3A_66 : memref<!tpu.dma_semaphore, #tpu.memory_space<semaphore_mem>>)
      %dma_start3A_75 = arith.constant 1 : i32
      %dma_start3A_76 = tpu.memref_slice %arg9[%rem3A_3, %dma_start3A_75] : memref<3x2x!tpu.dma_semaphore, #tpu.memory_space<semaphore_mem>> -> memref<1x1x!tpu.dma_semaphore, #tpu.memory_space<semaphore_mem>>
      %dma_start3A_77 = tpu.memref_squeeze %dma_start3A_76 : memref<1x1x!tpu.dma_semaphore, #tpu.memory_space<semaphore_mem>> -> memref<!tpu.dma_semaphore, #tpu.memory_space<semaphore_mem>>
      %dma_start3A_78 = arith.constant 512 : i32
      %dma_start3A_79 = arith.constant 0 : i32
      %dma_start3A_80 = tpu.memref_slice %arg7[%rem3A_3, %dma_start3A_78, %dma_start3A_79] : memref<3x1024x1024xf32, #tpu.memory_space<vmem>> -> memref<1x512x1024xf32, #tpu.memory_space<vmem>>
      %dma_start3A_81 = tpu.memref_squeeze %dma_start3A_80 : memref<1x512x1024xf32, #tpu.memory_space<vmem>> -> memref<512x1024xf32, #tpu.memory_space<vmem>>
      %dma_start3A_82 = arith.constant 512 : i32
      %dma_start3A_83 = arith.constant 0 : i32
      %dma_start3A_84 = tpu.memref_slice %arg4[%add3A_64, %dma_start3A_82, %dma_start3A_83] : memref<64x1024x1024xf32, #tpu.memory_space<any>> -> memref<1x512x1024xf32, #tpu.memory_space<any>>
      %dma_start3A_85 = tpu.memref_squeeze %dma_start3A_84 : memref<1x512x1024xf32, #tpu.memory_space<any>> -> memref<512x1024xf32, #tpu.memory_space<any>>
      tpu.enqueue_dma source(%dma_start3A_85 : memref<512x1024xf32, #tpu.memory_space<any>>) target(%dma_start3A_81 : memref<512x1024xf32, #tpu.memory_space<vmem>>) target_semaphore(%dma_start3A_77 : memref<!tpu.dma_semaphore, #tpu.memory_space<semaphore_mem>>)
      %dma_start3A_86 = arith.constant 0 : i32
      %dma_start3A_87 = tpu.memref_slice %arg10[%rem3A_3, %dma_start3A_86] : memref<3x2x!tpu.dma_semaphore, #tpu.memory_space<semaphore_mem>> -> memref<1x1x!tpu.dma_semaphore, #tpu.memory_space<semaphore_mem>>
      %dma_start3A_88 = tpu.memref_squeeze %dma_start3A_87 : memref<1x1x!tpu.dma_semaphore, #tpu.memory_space<semaphore_mem>> -> memref<!tpu.dma_semaphore, #tpu.memory_space<semaphore_mem>>
      %dma_start3A_89 = arith.constant 0 : i32
      %dma_start3A_90 = arith.constant 0 : i32
      %dma_start3A_91 = tpu.memref_slice %arg8[%rem3A_3, %dma_start3A_89, %dma_start3A_90] : memref<3x1024x512xf32, #tpu.memory_space<vmem>> -> memref<1x512x512xf32, #tpu.memory_space<vmem>>
      %dma_start3A_92 = tpu.memref_squeeze %dma_start3A_91 : memref<1x512x512xf32, #tpu.memory_space<vmem>> -> memref<512x512xf32, #tpu.memory_space<vmem>>
      %dma_start3A_93 = arith.constant 0 : i32
      %dma_start3A_94 = arith.constant 0 : i32
      %dma_start3A_95 = tpu.memref_slice %arg5[%add3A_64, %dma_start3A_93, %dma_start3A_94] : memref<64x1024x512xf32, #tpu.memory_space<any>> -> memref<1x512x512xf32, #tpu.memory_space<any>>
      %dma_start3A_96 = tpu.memref_squeeze %dma_start3A_95 : memref<1x512x512xf32, #tpu.memory_space<any>> -> memref<512x512xf32, #tpu.memory_space<any>>
      tpu.enqueue_dma source(%dma_start3A_96 : memref<512x512xf32, #tpu.memory_space<any>>) target(%dma_start3A_92 : memref<512x512xf32, #tpu.memory_space<vmem>>) target_semaphore(%dma_start3A_88 : memref<!tpu.dma_semaphore, #tpu.memory_space<semaphore_mem>>)
      %dma_start3A_97 = arith.constant 1 : i32
      %dma_start3A_98 = tpu.memref_slice %arg10[%rem3A_3, %dma_start3A_97] : memref<3x2x!tpu.dma_semaphore, #tpu.memory_space<semaphore_mem>> -> memref<1x1x!tpu.dma_semaphore, #tpu.memory_space<semaphore_mem>>
      %dma_start3A_99 = tpu.memref_squeeze %dma_start3A_98 : memref<1x1x!tpu.dma_semaphore, #tpu.memory_space<semaphore_mem>> -> memref<!tpu.dma_semaphore, #tpu.memory_space<semaphore_mem>>
      %dma_start3A_100 = arith.constant 512 : i32
      %dma_start3A_101 = arith.constant 0 : i32
      %dma_start3A_102 = tpu.memref_slice %arg8[%rem3A_3, %dma_start3A_100, %dma_start3A_101] : memref<3x1024x512xf32, #tpu.memory_space<vmem>> -> memref<1x512x512xf32, #tpu.memory_space<vmem>>
      %dma_start3A_103 = tpu.memref_squeeze %dma_start3A_102 : memref<1x512x512xf32, #tpu.memory_space<vmem>> -> memref<512x512xf32, #tpu.memory_space<vmem>>
      %dma_start3A_104 = arith.constant 512 : i32
      %dma_start3A_105 = arith.constant 0 : i32
      %dma_start3A_106 = tpu.memref_slice %arg5[%add3A_64, %dma_start3A_104, %dma_start3A_105] : memref<64x1024x512xf32, #tpu.memory_space<any>> -> memref<1x512x512xf32, #tpu.memory_space<any>>
      %dma_start3A_107 = tpu.memref_squeeze %dma_start3A_106 : memref<1x512x512xf32, #tpu.memory_space<any>> -> memref<512x512xf32, #tpu.memory_space<any>>
      tpu.enqueue_dma source(%dma_start3A_107 : memref<512x512xf32, #tpu.memory_space<any>>) target(%dma_start3A_103 : memref<512x512xf32, #tpu.memory_space<vmem>>) target_semaphore(%dma_start3A_99 : memref<!tpu.dma_semaphore, #tpu.memory_space<semaphore_mem>>)
    } else {
    }
    %dma_wait3A = arith.constant 0 : i32
    %dma_wait3A_12 = tpu.memref_slice %arg9[%rem3A_0, %dma_wait3A] : memref<3x2x!tpu.dma_semaphore, #tpu.memory_space<semaphore_mem>> -> memref<1x1x!tpu.dma_semaphore, #tpu.memory_space<semaphore_mem>>
    %dma_wait3A_13 = tpu.memref_squeeze %dma_wait3A_12 : memref<1x1x!tpu.dma_semaphore, #tpu.memory_space<semaphore_mem>> -> memref<!tpu.dma_semaphore, #tpu.memory_space<semaphore_mem>>
    %dma_wait3A_14 = arith.constant 0 : i32
    %dma_wait3A_15 = arith.constant 0 : i32
    %dma_wait3A_16 = tpu.memref_slice %arg7[%rem3A_0, %dma_wait3A_14, %dma_wait3A_15] : memref<3x1024x1024xf32, #tpu.memory_space<vmem>> -> memref<1x512x1024xf32, #tpu.memory_space<vmem>>
    %dma_wait3A_17 = tpu.memref_squeeze %dma_wait3A_16 : memref<1x512x1024xf32, #tpu.memory_space<vmem>> -> memref<512x1024xf32, #tpu.memory_space<vmem>>
    %dma_wait3A_18 = arith.constant 0 : i32
    %dma_wait3A_19 = arith.constant 0 : i32
    %dma_wait3A_20 = tpu.memref_slice %arg4[%arg0, %dma_wait3A_18, %dma_wait3A_19] : memref<64x1024x1024xf32, #tpu.memory_space<any>> -> memref<1x512x1024xf32, #tpu.memory_space<any>>
    %dma_wait3A_21 = tpu.memref_squeeze %dma_wait3A_20 : memref<1x512x1024xf32, #tpu.memory_space<any>> -> memref<512x1024xf32, #tpu.memory_space<any>>
    tpu.wait_dma2 semaphore(%dma_wait3A_13 : memref<!tpu.dma_semaphore, #tpu.memory_space<semaphore_mem>>) src(%dma_wait3A_21 : memref<512x1024xf32, #tpu.memory_space<any>>) dst(%dma_wait3A_17 : memref<512x1024xf32, #tpu.memory_space<vmem>>)
    %dma_wait3A_22 = arith.constant 1 : i32
    %dma_wait3A_23 = tpu.memref_slice %arg9[%rem3A_0, %dma_wait3A_22] : memref<3x2x!tpu.dma_semaphore, #tpu.memory_space<semaphore_mem>> -> memref<1x1x!tpu.dma_semaphore, #tpu.memory_space<semaphore_mem>>
    %dma_wait3A_24 = tpu.memref_squeeze %dma_wait3A_23 : memref<1x1x!tpu.dma_semaphore, #tpu.memory_space<semaphore_mem>> -> memref<!tpu.dma_semaphore, #tpu.memory_space<semaphore_mem>>
    %dma_wait3A_25 = arith.constant 512 : i32
    %dma_wait3A_26 = arith.constant 0 : i32
    %dma_wait3A_27 = tpu.memref_slice %arg7[%rem3A_0, %dma_wait3A_25, %dma_wait3A_26] : memref<3x1024x1024xf32, #tpu.memory_space<vmem>> -> memref<1x512x1024xf32, #tpu.memory_space<vmem>>
    %dma_wait3A_28 = tpu.memref_squeeze %dma_wait3A_27 : memref<1x512x1024xf32, #tpu.memory_space<vmem>> -> memref<512x1024xf32, #tpu.memory_space<vmem>>
    %dma_wait3A_29 = arith.constant 512 : i32
    %dma_wait3A_30 = arith.constant 0 : i32
    %dma_wait3A_31 = tpu.memref_slice %arg4[%arg0, %dma_wait3A_29, %dma_wait3A_30] : memref<64x1024x1024xf32, #tpu.memory_space<any>> -> memref<1x512x1024xf32, #tpu.memory_space<any>>
    %dma_wait3A_32 = tpu.memref_squeeze %dma_wait3A_31 : memref<1x512x1024xf32, #tpu.memory_space<any>> -> memref<512x1024xf32, #tpu.memory_space<any>>
    tpu.wait_dma2 semaphore(%dma_wait3A_24 : memref<!tpu.dma_semaphore, #tpu.memory_space<semaphore_mem>>) src(%dma_wait3A_32 : memref<512x1024xf32, #tpu.memory_space<any>>) dst(%dma_wait3A_28 : memref<512x1024xf32, #tpu.memory_space<vmem>>)
    %dma_wait3A_33 = arith.constant 0 : i32
    %dma_wait3A_34 = tpu.memref_slice %arg10[%rem3A_0, %dma_wait3A_33] : memref<3x2x!tpu.dma_semaphore, #tpu.memory_space<semaphore_mem>> -> memref<1x1x!tpu.dma_semaphore, #tpu.memory_space<semaphore_mem>>
    %dma_wait3A_35 = tpu.memref_squeeze %dma_wait3A_34 : memref<1x1x!tpu.dma_semaphore, #tpu.memory_space<semaphore_mem>> -> memref<!tpu.dma_semaphore, #tpu.memory_space<semaphore_mem>>
    %dma_wait3A_36 = arith.constant 0 : i32
    %dma_wait3A_37 = arith.constant 0 : i32
    %dma_wait3A_38 = tpu.memref_slice %arg8[%rem3A_0, %dma_wait3A_36, %dma_wait3A_37] : memref<3x1024x512xf32, #tpu.memory_space<vmem>> -> memref<1x512x512xf32, #tpu.memory_space<vmem>>
    %dma_wait3A_39 = tpu.memref_squeeze %dma_wait3A_38 : memref<1x512x512xf32, #tpu.memory_space<vmem>> -> memref<512x512xf32, #tpu.memory_space<vmem>>
    %dma_wait3A_40 = arith.constant 0 : i32
    %dma_wait3A_41 = arith.constant 0 : i32
    %dma_wait3A_42 = tpu.memref_slice %arg5[%arg0, %dma_wait3A_40, %dma_wait3A_41] : memref<64x1024x512xf32, #tpu.memory_space<any>> -> memref<1x512x512xf32, #tpu.memory_space<any>>
    %dma_wait3A_43 = tpu.memref_squeeze %dma_wait3A_42 : memref<1x512x512xf32, #tpu.memory_space<any>> -> memref<512x512xf32, #tpu.memory_space<any>>
    tpu.wait_dma2 semaphore(%dma_wait3A_35 : memref<!tpu.dma_semaphore, #tpu.memory_space<semaphore_mem>>) src(%dma_wait3A_43 : memref<512x512xf32, #tpu.memory_space<any>>) dst(%dma_wait3A_39 : memref<512x512xf32, #tpu.memory_space<vmem>>)
    %dma_wait3A_44 = arith.constant 1 : i32
    %dma_wait3A_45 = tpu.memref_slice %arg10[%rem3A_0, %dma_wait3A_44] : memref<3x2x!tpu.dma_semaphore, #tpu.memory_space<semaphore_mem>> -> memref<1x1x!tpu.dma_semaphore, #tpu.memory_space<semaphore_mem>>
    %dma_wait3A_46 = tpu.memref_squeeze %dma_wait3A_45 : memref<1x1x!tpu.dma_semaphore, #tpu.memory_space<semaphore_mem>> -> memref<!tpu.dma_semaphore, #tpu.memory_space<semaphore_mem>>
    %dma_wait3A_47 = arith.constant 512 : i32
    %dma_wait3A_48 = arith.constant 0 : i32
    %dma_wait3A_49 = tpu.memref_slice %arg8[%rem3A_0, %dma_wait3A_47, %dma_wait3A_48] : memref<3x1024x512xf32, #tpu.memory_space<vmem>> -> memref<1x512x512xf32, #tpu.memory_space<vmem>>
    %dma_wait3A_50 = tpu.memref_squeeze %dma_wait3A_49 : memref<1x512x512xf32, #tpu.memory_space<vmem>> -> memref<512x512xf32, #tpu.memory_space<vmem>>
    %dma_wait3A_51 = arith.constant 512 : i32
    %dma_wait3A_52 = arith.constant 0 : i32
    %dma_wait3A_53 = tpu.memref_slice %arg5[%arg0, %dma_wait3A_51, %dma_wait3A_52] : memref<64x1024x512xf32, #tpu.memory_space<any>> -> memref<1x512x512xf32, #tpu.memory_space<any>>
    %dma_wait3A_54 = tpu.memref_squeeze %dma_wait3A_53 : memref<1x512x512xf32, #tpu.memory_space<any>> -> memref<512x512xf32, #tpu.memory_space<any>>
    tpu.wait_dma2 semaphore(%dma_wait3A_46 : memref<!tpu.dma_semaphore, #tpu.memory_space<semaphore_mem>>) src(%dma_wait3A_54 : memref<512x512xf32, #tpu.memory_space<any>>) dst(%dma_wait3A_50 : memref<512x512xf32, #tpu.memory_space<vmem>>)
    %get3A = arith.index_cast %arg0 : i32 to index
    %get3A_55 = memref.load %arg1[%get3A] : memref<65xi32, #tpu.memory_space<smem>>
    %add3A_56 = arith.constant 1 : i32
    %add3A_57 = arith.addi %arg0, %add3A_56 : i32
    %get3A_58 = arith.index_cast %add3A_57 : i32 to index
    %get3A_59 = memref.load %arg1[%get3A_58] : memref<65xi32, #tpu.memory_space<smem>>
    %gt3A = arith.cmpi sgt, %get3A_59, %get3A_55 : i32
    %convert_element_type3A_60 = arith.extui %gt3A : i1 to i32
    %cond3A_61 = arith.constant 0 : i32
    %cond3A_62 = arith.cmpi ne, %convert_element_type3A_60, %cond3A_61 : i32
    scf.if %cond3A_62 {
      %get3A_63 = arith.index_cast %rem3A_0 : i32 to index
      %get3A_64 = arith.constant 0 : index
      %get3A_65 = arith.constant 0 : index
      %get3A_66 = vector.load %arg7[%get3A_63, %get3A_64, %get3A_65] : memref<3x1024x1024xf32, #tpu.memory_space<vmem>>, vector<1x1024x1024xf32>
      %get3A_67 = vector.shape_cast %get3A_66 : vector<1x1024x1024xf32> to vector<1024x1024xf32>
      %get3A_68 = arith.index_cast %rem3A_0 : i32 to index
      %get3A_69 = arith.constant 0 : index
      %get3A_70 = arith.constant 0 : index
      %get3A_71 = vector.load %arg8[%get3A_68, %get3A_69, %get3A_70] : memref<3x1024x512xf32, #tpu.memory_space<vmem>>, vector<1x1024x512xf32>
      %get3A_72 = vector.shape_cast %get3A_71 : vector<1x1024x512xf32> to vector<1024x512xf32>
      %jit3A = arith.constant 256 : i32
      %div3A = arith.divsi %get3A_55, %jit3A : i32
      %sign3A = arith.constant 0 : i32
      %sign3A_73 = arith.cmpi sgt, %get3A_55, %sign3A : i32
      %sign3A_74 = arith.extui %sign3A_73 : i1 to i32
      %sign3A_75 = arith.constant 0 : i32
      %sign3A_76 = arith.cmpi slt, %get3A_55, %sign3A_75 : i32
      %sign3A_77 = arith.extui %sign3A_76 : i1 to i32
      %sign3A_78 = arith.subi %sign3A_74, %sign3A_77 : i32
      %sign3A_79 = arith.constant 0 : i32
      %sign3A_80 = arith.cmpi sgt, %jit3A, %sign3A_79 : i32
      %sign3A_81 = arith.extui %sign3A_80 : i1 to i32
      %sign3A_82 = arith.constant 0 : i32
      %sign3A_83 = arith.cmpi slt, %jit3A, %sign3A_82 : i32
      %sign3A_84 = arith.extui %sign3A_83 : i1 to i32
      %sign3A_85 = arith.subi %sign3A_81, %sign3A_84 : i32
      %ne3A = arith.cmpi ne, %sign3A_78, %sign3A_85 : i32
      %rem3A_86 = arith.remsi %get3A_55, %jit3A : i32
      %ne3A_87 = arith.constant 0 : i32
      %ne3A_88 = arith.cmpi ne, %rem3A_86, %ne3A_87 : i32
      %and3A = arith.andi %ne3A, %ne3A_88 : i1
      %sub3A = arith.constant 1 : i32
      %sub3A_89 = arith.subi %div3A, %sub3A : i32
      %select_n3A = arith.select %and3A, %sub3A_89, %div3A : i32
      %sub3A_90 = arith.constant 1 : i32
      %sub3A_91 = arith.subi %get3A_59, %sub3A_90 : i32
      %jit3A_92 = arith.constant 256 : i32
      %div3A_93 = arith.divsi %sub3A_91, %jit3A_92 : i32
      %sign3A_94 = arith.constant 0 : i32
      %sign3A_95 = arith.cmpi sgt, %sub3A_91, %sign3A_94 : i32
      %sign3A_96 = arith.extui %sign3A_95 : i1 to i32
      %sign3A_97 = arith.constant 0 : i32
      %sign3A_98 = arith.cmpi slt, %sub3A_91, %sign3A_97 : i32
      %sign3A_99 = arith.extui %sign3A_98 : i1 to i32
      %sign3A_100 = arith.subi %sign3A_96, %sign3A_99 : i32
      %sign3A_101 = arith.constant 0 : i32
      %sign3A_102 = arith.cmpi sgt, %jit3A_92, %sign3A_101 : i32
      %sign3A_103 = arith.extui %sign3A_102 : i1 to i32
      %sign3A_104 = arith.constant 0 : i32
      %sign3A_105 = arith.cmpi slt, %jit3A_92, %sign3A_104 : i32
      %sign3A_106 = arith.extui %sign3A_105 : i1 to i32
      %sign3A_107 = arith.subi %sign3A_103, %sign3A_106 : i32
      %ne3A_108 = arith.cmpi ne, %sign3A_100, %sign3A_107 : i32
      %rem3A_109 = arith.remsi %sub3A_91, %jit3A_92 : i32
      %ne3A_110 = arith.constant 0 : i32
      %ne3A_111 = arith.cmpi ne, %rem3A_109, %ne3A_110 : i32
      %and3A_112 = arith.andi %ne3A_108, %ne3A_111 : i1
      %sub3A_113 = arith.constant 1 : i32
      %sub3A_114 = arith.subi %div3A_93, %sub3A_113 : i32
      %select_n3A_115 = arith.select %and3A_112, %sub3A_114, %div3A_93 : i32
      %sub3A_116 = arith.subi %select_n3A_115, %select_n3A : i32
      %add3A_117 = arith.constant 1 : i32
      %add3A_118 = arith.addi %sub3A_116, %add3A_117 : i32
      %while3A = arith.constant 0 : i32
      %while3A_119 = arith.constant 0 : i32
      %while3A_120 = arith.subi %add3A_118, %while3A_119 : i32
      %while3A_121 = arith.addi %while3A_119, %while3A_120 : i32
      %while3A_122 = arith.constant 1 : i32
      %while3A_123 = arith.divsi %while3A_120, %while3A_122 : i32
      %while3A_124 = arith.muli %while3A_123, %while3A_122 : i32
      %while3A_125 = arith.addi %while3A_119, %while3A_124 : i32
      %while3A_126 = arith.constant 1 : i32
      scf.for %while3A_128 = %while3A_119 to %while3A_125 step %while3A_126  : i32 {
        %add3A_129 = arith.addi %select_n3A, %while3A_128 : i32
        %mul3A = arith.constant 256 : i32
        %mul3A_130 = arith.muli %add3A_129, %mul3A : i32
        %get3A_131 = arith.index_cast %mul3A_130 : i32 to index
        %get3A_132 = arith.constant 0 : index
        %get3A_133 = vector.load %arg2[%get3A_131, %get3A_132] : memref<2048x1024xf32, #tpu.memory_space<vmem>>, vector<256x1024xf32>
        %dot_general3A = arith.constant dense<0.000000e+00> : vector<256x1024xf32>
        %dot_general3A_134 = tpu.matmul %get3A_133, %get3A_67, %dot_general3A {dimension_numbers = #tpu.dot_dimension_numbers<[1], [1], [0], [0], [0, 0, 1, 0], [], []>, transpose_lhs_hint = false} : vector<256x1024xf32>, vector<1024x1024xf32>, vector<256x1024xf32> -> vector<256x1024xf32>
        %slice3A = vector.extract_strided_slice %dot_general3A_134 {offsets = [0, 0], sizes = [256, 512], strides = [1, 1]} : vector<256x1024xf32> to vector<256x512xf32>
        %slice3A_135 = vector.extract_strided_slice %dot_general3A_134 {offsets = [0, 512], sizes = [256, 512], strides = [1, 1]} : vector<256x1024xf32> to vector<256x512xf32>
        %logistic3A = arith.negf %slice3A : vector<256x512xf32>
        %logistic3A_136 = math.exp %logistic3A : vector<256x512xf32>
        %logistic3A_137 = arith.constant 1.000000e+00 : f32
        %logistic3A_138 = vector.broadcast %logistic3A_137 : f32 to vector<256x512xf32>
        %logistic3A_139 = arith.addf %logistic3A_138, %logistic3A_136 : vector<256x512xf32>
        %logistic3A_140 = arith.divf %logistic3A_138, %logistic3A_139 : vector<256x512xf32>
        %mul3A_141 = arith.mulf %slice3A, %logistic3A_140 : vector<256x512xf32>
        %mul3A_142 = arith.mulf %mul3A_141, %slice3A_135 : vector<256x512xf32>
        %dot_general3A_143 = arith.constant dense<0.000000e+00> : vector<256x1024xf32>
        %dot_general3A_144 = tpu.matmul %mul3A_142, %get3A_72, %dot_general3A_143 {dimension_numbers = #tpu.dot_dimension_numbers<[1], [1], [0], [0], [0, 0, 1, 0], [], []>, transpose_lhs_hint = false} : vector<256x512xf32>, vector<1024x512xf32>, vector<256x1024xf32> -> vector<256x1024xf32>
        %iota3A = tpu.iota {dimensions = array<i32: 0>} : vector<256x1xi32>
        %add3A_145 = vector.broadcast %mul3A_130 : i32 to vector<256x1xi32>
        %add3A_146 = arith.addi %add3A_145, %iota3A : vector<256x1xi32>
        %ge3A = vector.broadcast %get3A_55 : i32 to vector<256x1xi32>
        %ge3A_147 = arith.cmpi sge, %add3A_146, %ge3A : vector<256x1xi32>
        %lt3A_148 = vector.broadcast %get3A_59 : i32 to vector<256x1xi32>
        %lt3A_149 = arith.cmpi slt, %add3A_146, %lt3A_148 : vector<256x1xi32>
        %and3A_150 = arith.andi %ge3A_147, %lt3A_149 : vector<256x1xi1>
        %get3A_151 = arith.index_cast %mul3A_130 : i32 to index
        %get3A_152 = arith.constant 0 : index
        %get3A_153 = vector.load %arg3[%get3A_151, %get3A_152] : memref<2048x1xf32, #tpu.memory_space<vmem>>, vector<256x1xf32>
        %jit3A_154 = arith.constant 0.000000e+00 : f32
        %broadcast_in_dim3A = vector.broadcast %jit3A_154 : f32 to vector<256x1xf32>
        %select_n3A_155 = arith.select %and3A_150, %get3A_153, %broadcast_in_dim3A : vector<256x1xi1>, vector<256x1xf32>
        %mul3A_156 = vector.broadcast %select_n3A_155 : vector<256x1xf32> to vector<256x1024xf32>
        %mul3A_157 = arith.mulf %dot_general3A_144, %mul3A_156 : vector<256x1024xf32>
        %ge3A_158 = arith.cmpi sge, %mul3A_130, %get3A_55 : i32
        %convert_element_type3A_159 = arith.extui %ge3A_158 : i1 to i32
        %cond3A_160 = arith.constant 0 : i32
        %cond3A_161 = arith.cmpi ne, %convert_element_type3A_159, %cond3A_160 : i32
        scf.if %cond3A_161 {
          %swap3A = arith.index_cast %mul3A_130 : i32 to index
          %swap3A_162 = arith.constant 0 : index
          %swap3A_163 = vector.load %arg6[%swap3A, %swap3A_162] : memref<2048x1024xf32, #tpu.memory_space<vmem>>, vector<256x1024xf32>
          tpu.vector_store %arg6[%swap3A, %swap3A_162], %mul3A_157 {strides = array<i32>} : memref<2048x1024xf32, #tpu.memory_space<vmem>>, vector<256x1024xf32>,
        } else {
          %get3A_162 = arith.index_cast %mul3A_130 : i32 to index
          %get3A_163 = arith.constant 0 : index
          %get3A_164 = vector.load %arg6[%get3A_162, %get3A_163] : memref<2048x1024xf32, #tpu.memory_space<vmem>>, vector<256x1024xf32>
          %add3A_165 = arith.addf %get3A_164, %mul3A_157 : vector<256x1024xf32>
          %swap3A = arith.index_cast %mul3A_130 : i32 to index
          %swap3A_166 = arith.constant 0 : index
          %swap3A_167 = vector.load %arg6[%swap3A, %swap3A_166] : memref<2048x1024xf32, #tpu.memory_space<vmem>>, vector<256x1024xf32>
          tpu.vector_store %arg6[%swap3A, %swap3A_166], %add3A_165 {strides = array<i32>} : memref<2048x1024xf32, #tpu.memory_space<vmem>>, vector<256x1024xf32>,
        }
      }
      %while3A_127 = arith.constant 1 : i32
      scf.for %while3A_128 = %while3A_125 to %while3A_121 step %while3A_127  : i32 {
        %add3A_129 = arith.addi %select_n3A, %while3A_128 : i32
        %mul3A = arith.constant 256 : i32
        %mul3A_130 = arith.muli %add3A_129, %mul3A : i32
        %get3A_131 = arith.index_cast %mul3A_130 : i32 to index
        %get3A_132 = arith.constant 0 : index
        %get3A_133 = vector.load %arg2[%get3A_131, %get3A_132] : memref<2048x1024xf32, #tpu.memory_space<vmem>>, vector<256x1024xf32>
        %dot_general3A = arith.constant dense<0.000000e+00> : vector<256x1024xf32>
        %dot_general3A_134 = tpu.matmul %get3A_133, %get3A_67, %dot_general3A {dimension_numbers = #tpu.dot_dimension_numbers<[1], [1], [0], [0], [0, 0, 1, 0], [], []>, transpose_lhs_hint = false} : vector<256x1024xf32>, vector<1024x1024xf32>, vector<256x1024xf32> -> vector<256x1024xf32>
        %slice3A = vector.extract_strided_slice %dot_general3A_134 {offsets = [0, 0], sizes = [256, 512], strides = [1, 1]} : vector<256x1024xf32> to vector<256x512xf32>
        %slice3A_135 = vector.extract_strided_slice %dot_general3A_134 {offsets = [0, 512], sizes = [256, 512], strides = [1, 1]} : vector<256x1024xf32> to vector<256x512xf32>
        %logistic3A = arith.negf %slice3A : vector<256x512xf32>
        %logistic3A_136 = math.exp %logistic3A : vector<256x512xf32>
        %logistic3A_137 = arith.constant 1.000000e+00 : f32
        %logistic3A_138 = vector.broadcast %logistic3A_137 : f32 to vector<256x512xf32>
        %logistic3A_139 = arith.addf %logistic3A_138, %logistic3A_136 : vector<256x512xf32>
        %logistic3A_140 = arith.divf %logistic3A_138, %logistic3A_139 : vector<256x512xf32>
        %mul3A_141 = arith.mulf %slice3A, %logistic3A_140 : vector<256x512xf32>
        %mul3A_142 = arith.mulf %mul3A_141, %slice3A_135 : vector<256x512xf32>
        %dot_general3A_143 = arith.constant dense<0.000000e+00> : vector<256x1024xf32>
        %dot_general3A_144 = tpu.matmul %mul3A_142, %get3A_72, %dot_general3A_143 {dimension_numbers = #tpu.dot_dimension_numbers<[1], [1], [0], [0], [0, 0, 1, 0], [], []>, transpose_lhs_hint = false} : vector<256x512xf32>, vector<1024x512xf32>, vector<256x1024xf32> -> vector<256x1024xf32>
        %iota3A = tpu.iota {dimensions = array<i32: 0>} : vector<256x1xi32>
        %add3A_145 = vector.broadcast %mul3A_130 : i32 to vector<256x1xi32>
        %add3A_146 = arith.addi %add3A_145, %iota3A : vector<256x1xi32>
        %ge3A = vector.broadcast %get3A_55 : i32 to vector<256x1xi32>
        %ge3A_147 = arith.cmpi sge, %add3A_146, %ge3A : vector<256x1xi32>
        %lt3A_148 = vector.broadcast %get3A_59 : i32 to vector<256x1xi32>
        %lt3A_149 = arith.cmpi slt, %add3A_146, %lt3A_148 : vector<256x1xi32>
        %and3A_150 = arith.andi %ge3A_147, %lt3A_149 : vector<256x1xi1>
        %get3A_151 = arith.index_cast %mul3A_130 : i32 to index
        %get3A_152 = arith.constant 0 : index
        %get3A_153 = vector.load %arg3[%get3A_151, %get3A_152] : memref<2048x1xf32, #tpu.memory_space<vmem>>, vector<256x1xf32>
        %jit3A_154 = arith.constant 0.000000e+00 : f32
        %broadcast_in_dim3A = vector.broadcast %jit3A_154 : f32 to vector<256x1xf32>
        %select_n3A_155 = arith.select %and3A_150, %get3A_153, %broadcast_in_dim3A : vector<256x1xi1>, vector<256x1xf32>
        %mul3A_156 = vector.broadcast %select_n3A_155 : vector<256x1xf32> to vector<256x1024xf32>
        %mul3A_157 = arith.mulf %dot_general3A_144, %mul3A_156 : vector<256x1024xf32>
        %ge3A_158 = arith.cmpi sge, %mul3A_130, %get3A_55 : i32
        %convert_element_type3A_159 = arith.extui %ge3A_158 : i1 to i32
        %cond3A_160 = arith.constant 0 : i32
        %cond3A_161 = arith.cmpi ne, %convert_element_type3A_159, %cond3A_160 : i32
        scf.if %cond3A_161 {
          %swap3A = arith.index_cast %mul3A_130 : i32 to index
          %swap3A_162 = arith.constant 0 : index
          %swap3A_163 = vector.load %arg6[%swap3A, %swap3A_162] : memref<2048x1024xf32, #tpu.memory_space<vmem>>, vector<256x1024xf32>
          tpu.vector_store %arg6[%swap3A, %swap3A_162], %mul3A_157 {strides = array<i32>} : memref<2048x1024xf32, #tpu.memory_space<vmem>>, vector<256x1024xf32>,
        } else {
          %get3A_162 = arith.index_cast %mul3A_130 : i32 to index
          %get3A_163 = arith.constant 0 : index
          %get3A_164 = vector.load %arg6[%get3A_162, %get3A_163] : memref<2048x1024xf32, #tpu.memory_space<vmem>>, vector<256x1024xf32>
          %add3A_165 = arith.addf %get3A_164, %mul3A_157 : vector<256x1024xf32>
          %swap3A = arith.index_cast %mul3A_130 : i32 to index
          %swap3A_166 = arith.constant 0 : index
          %swap3A_167 = vector.load %arg6[%swap3A, %swap3A_166] : memref<2048x1024xf32, #tpu.memory_space<vmem>>, vector<256x1024xf32>
          tpu.vector_store %arg6[%swap3A, %swap3A_166], %add3A_165 {strides = array<i32>} : memref<2048x1024xf32, #tpu.memory_space<vmem>>, vector<256x1024xf32>,
        }
      }
    } else {
    }
    return
  }
  func.func @transform_0(%arg0: i32, %arg1: memref<65xi32, #tpu.memory_space<smem>>) -> (i32, i32) {
    %c0_i32 = arith.constant 0 : i32
    %c0_i32_0 = arith.constant 0 : i32
    %c0_i32_1 = arith.constant 0 : i32
    return %c0_i32, %c0_i32_0 : i32, i32
  }
  func.func @transform_1(%arg0: i32, %arg1: memref<65xi32, #tpu.memory_space<smem>>) -> (i32, i32) {
    %c0_i32 = arith.constant 0 : i32
    %c0_i32_0 = arith.constant 0 : i32
    %c0_i32_1 = arith.constant 0 : i32
    return %c0_i32, %c0_i32_0 : i32, i32
  }
  func.func @transform_4(%arg0: i32, %arg1: memref<65xi32, #tpu.memory_space<smem>>) -> (i32, i32) {
    %c0_i32 = arith.constant 0 : i32
    %c0_i32_0 = arith.constant 0 : i32
    %c0_i32_1 = arith.constant 0 : i32
    return %c0_i32, %c0_i32_0 : i32, i32
  }
}

</mosaic_0001>

<sc_bundles>
// kernel: kernel.5.cloned.1.call-start
scs
__scs_entry_jumppad:
0x0: {  	(pc) =	sbr.rel $0x88, $3  }
0x1: {  	(tag) =	ssettag $0x0;
	lr =	simm.s32 $0x1  }
0x2: {  	[smem:$0x3F9C] =	sst lr;
	_ =	strace $0xD0000000  }
0x3: {  	_ = 	snop  }
0x4: {  	_ = 	snop  }
0x5: {  	_ = 	snop  }
0x6: {  	_ = 	snop  }
0x7: {  	_ = 	snop  }
__scs_overlays_trampoline_lowered:
0x8: {  	[smem:$0x3FAB] =	sst s0  }
0x9: {  	[smem:$0x3FAC] =	sst s1  }
0xa: {  	[smem:$0x3FAD] =	sst s2  }
0xb: {  	[smem:$0x3FAE] =	sst s3  }
0xc: {  	[smem:$0x3FAF] =	sst s4  }
0xd: {  	[smem:$0x3FB0] =	sst s5  }
0xe: {  	[smem:$0x3FB1] =	sst s6  }
0xf: {  	[smem:$0x3FB2] =	sst s7  }
0x10: {  	[smem:$0x3FB3] =	sst s8  }
0x11: {  	[smem:$0x3FB4] =	sst s9;
	s0 =	simm.s32 @!p0 $0x0  }
0x12: {  	s1 =	sld [smem:$0x3F9A];
	s0 =	simm.s32 @p0 $0x1  }
0x13: {  	[smem:$0x3FB5] =	sst s0;
	s0 =	simm.s32 @!p1 $0x0  }
0x14: {  	s2 =	sld [smem:$0x3F99];
	s0 =	simm.s32 @p1 $0x1  }
0x15: {  	[smem:$0x3FB6] =	sst s0;
	s0 =	simm.s32 @!p2 $0x0  }
0x16: {  	s3 =	sld [smem:$0x3FDB];
	s0 =	simm.s32 @p2 $0x1  }
0x17: {  	s4 =	simm.s32 $0x1BF5;
	[smem:$0x3FB8] =	sst s0  }
0x18: {  	s0 =	sld [smem:$0x3F9B];
	_ =	swait.ge [sflag:s4], $0x0  }
0x19: {  	s7 =	sld [smem:$0x3F9C]  }
0x1a: {  	s8 =	sadd.s32 $0xFFFFE003, lr  }
0x1b: {  	s9 =	sadd.s32 $0xFFFFFEF7, lr;
	s5 =	simm.s32 $0xFFFFFFFF;
	p2 =	slt.u32 s8, $0xFFFFF086  }
0x1c: {  	p1 =	slt.u32 s9, $0xF7A;
	s5 =	simm.s32 @!p2 $0x0  }
0x1d: {  	s5 =	simm.s32 @p1 $0x1;
	p0 =	seq.s32 s7, s2  }
0x1e: {  	s7 =	smul.u32 @!p0 $0xF7A, s2;
	p2 =	seq.s32 @!p0 s5, $0x0  }
0x1f: {  	s9 =	smul.u32 $0xF7A, s1;
	s8 =	simm.s32 @!p0 $0x1BF5;
	p2 =	por !p2, p0  }
0x20: {  	[sflag:s8] =	ssyncset.s32 @!p0 $0xFFFFF086;
	s6 =	sadd.s32 @!p0 s3, s7;
	s7 =	simm.s32 @!p0 $0x108  }
0x21: {  	s3 =	sadd.s32 s3, s9;
	s6 =	sadd.s32 @!p0 $0x88, s6;
	s7 =	simm.s32 @p2 $0x1082  }
0x22: {  	[simem:s7], [sflag:s8] =	dma.local @!p0 [hbm:s6], $0xF7A  }
0x23: {  	s9 =	sor.u32 $0xD0000000, s2;
	s6 =	simm.s32 $0x108;
	_ =	swait.ge @!p0 [sflag:s8], $0x0  }
0x24: {  	s3 =	sadd.s32 $0x88, s3;
	s6 =	simm.s32 @!p1 $0x1082;
	[sflag:s4] =	ssyncset.s32 $0xFFFFF086  }
0x25: {  	[simem:s6], [sflag:s4] =	dma.local [hbm:s3], $0xF7A  }
0x26: {  	[smem:$0x3F9C] =	sst s1;
	(tag) =	ssettag s2;
	_ =	strace s9  }
0x27: {  	s1 =	sld [smem:$0x3FAC]  }
0x28: {  	s2 =	sld [smem:$0x3FAD]  }
0x29: {  	s4 =	sld [smem:$0x3FAF]  }
0x2a: {  	p0 =	seq.s32 s5, $0x0;
	s5 =	sld [smem:$0x3FB0]  }
0x2b: {  	s6 =	sld [smem:$0x3FB1]  }
0x2c: {  	s7 =	sld [smem:$0x3FB2]  }
0x2d: {  	s3 =	simm.s32 $0x108;
	s8 =	sld [smem:$0x3FB3]  }
0x2e: {  	s3 =	simm.s32 @!p0 $0x1082;
	s9 =	sld [smem:$0x3FB4]  }
0x2f: {  	lr =	sadd.s32 s0, s3;
	s0 =	sld [smem:$0x3FAB]  }
0x30: {  	s3 =	sld [smem:$0x3FAE]  }
0x31: {  	[smem:$0x3FB7] =	sst s10  }
0x32: {  	s10 =	sld [smem:$0x3FB5];
	_ =	sdelay $0x3  }
0x33: {  	p0 =	seq.s32 s10, $0x1;
	s10 =	sld [smem:$0x3FB7];
	_ =	sdelay $0x3  }
0x34: {  	[smem:$0x3FB7] =	sst s10  }
0x35: {  	s10 =	sld [smem:$0x3FB6];
	_ =	sdelay $0x3  }
0x36: {  	p1 =	seq.s32 s10, $0x1;
	s10 =	sld [smem:$0x3FB7];
	_ =	sdelay $0x3  }
0x37: {  	[smem:$0x3FB7] =	sst s10  }
0x38: {  	s10 =	sld [smem:$0x3FB8]  }
0x39: {  	_ = 	snop;
	(pc) =	sbr.ind lr, $3  }
0x3a: {  	_ = 	snop  }
0x3b: {  	_ = 	snop  }
0x3c: {  	p2 =	seq.s32 s10, $0x1;
	s10 =	sld [smem:$0x3FB7]  }
0x3d: {  	_ =	shalt  }
0x3e: {  	_ =	shalt  }
0x3f: {  	_ =	shalt  }
0x40: {  	_ =	shalt  }
0x41: {  	_ =	shalt  }
0x42: {  	_ =	shalt  }
0x43: {  	_ =	shalt  }
0x44: {  	_ =	shalt  }
0x45: {  	_ =	shalt  }
0x46: {  	_ =	shalt  }
0x47: {  	_ =	shalt  }
0x48: {  	_ =	shalt  }
0x49: {  	_ =	shalt  }
0x4a: {  	_ =	shalt  }
0x4b: {  	_ =	shalt  }
0x4c: {  	_ =	shalt  }
0x4d: {  	_ =	shalt  }
0x4e: {  	_ =	shalt  }
0x4f: {  	_ =	shalt  }
0x50: {  	_ =	shalt  }
0x51: {  	_ =	shalt  }
0x52: {  	_ =	shalt  }
0x53: {  	_ =	shalt  }
0x54: {  	_ =	shalt  }
0x55: {  	_ =	shalt  }
0x56: {  	_ =	shalt  }
0x57: {  	_ =	shalt  }
0x58: {  	_ =	shalt  }
0x59: {  	_ =	shalt  }
0x5a: {  	_ =	shalt  }
0x5b: {  	_ =	shalt  }
0x5c: {  	_ =	shalt  }
0x5d: {  	_ =	shalt  }
0x5e: {  	_ =	shalt  }
0x5f: {  	_ =	shalt  }
0x60: {  	_ =	shalt  }
0x61: {  	_ =	shalt  }
0x62: {  	_ =	shalt  }
0x63: {  	_ =	shalt  }
0x64: {  	_ =	shalt  }
0x65: {  	_ =	shalt  }
0x66: {  	_ =	shalt  }
0x67: {  	_ =	shalt  }
0x68: {  	_ =	shalt  }
0x69: {  	_ =	shalt  }
0x6a: {  	_ =	shalt  }
0x6b: {  	_ =	shalt  }
0x6c: {  	_ =	shalt  }
0x6d: {  	_ =	shalt  }
0x6e: {  	_ =	shalt  }
0x6f: {  	_ =	shalt  }
0x70: {  	_ =	shalt  }
0x71: {  	_ =	shalt  }
0x72: {  	_ =	shalt  }
0x73: {  	_ =	shalt  }
0x74: {  	_ =	shalt  }
0x75: {  	_ =	shalt  }
0x76: {  	_ =	shalt  }
0x77: {  	_ =	shalt  }
0x78: {  	_ =	shalt  }
0x79: {  	_ =	shalt  }
0x7a: {  	_ =	shalt  }
0x7b: {  	_ =	shalt  }
0x7c: {  	_ =	shalt  }
0x7d: {  	_ =	shalt  }
0x7e: {  	_ =	shalt  }
0x7f: {  	_ =	shalt  }
0x80: {  	_ =	shalt  }
0x81: {  	_ =	shalt  }
0x82: {  	_ =	shalt  }
0x83: {  	_ =	shalt  }
0x84: {  	_ =	shalt  }
0x85: {  	_ =	shalt  }
0x86: {  	_ =	shalt  }
0x87: {  	_ =	shalt  }
.Lfunc_end0:
.L_simem_size_0:
called_computation_lowered:
.L_overlay_start_0:
0x88: {  	s2 =	sld [smem:$0x3FD9]  }
0x89: {  	s3 =	sld [smem:$0x3FFE];
	_ =	sdelay $0x1  }
0x8a: {  	s1 =	srdreg.scid  }
0x8b: {  	s0 =	sand.u32 $0x1, s1  }
0x8c: {  	s17 =	sshll.u32 s0, $0xA;
	s2 =	sadd.s32 s3, s2  }
0x8d: {  	s2 =	sadd.s32 s2, s17  }
0x8e: {  	[smem:$0x3FC3] =	sst s2  }
0x8f: {  	_ = 	snop  }
0x90: {  	s2 =	sld [smem:$0x3FC9]  }
0x91: {  	s18 =	sld [smem:$0x3FD0];
	(tm) =	ssettm $0x1  }
0x92: {  	s4 =	sld [smem:$0x3FFB];
	_ =	sdelay $0x3  }
0x93: {  	_ =	strace s4  }
0x94: {  	s4 =	sld [smem:$0x3FFC];
	_ =	sdelay $0x3  }
0x95: {  	_ =	strace s4  }
0x96: {  	s4 =	sld [smem:$0x3FFD];
	_ =	sdelay $0x3  }
0x97: {  	_ =	strace s4  }
0x98: {  	_ =	strace $0x8FFFFFFF  }
0x99: {  	s19 =	sld [smem:$0x3FDB];
	_ =	sdelay $0x1  }
0x9a: {  	s5 =	simm.s32 $_scs_section_size  }
0x9b: {  	s6 =	simm.s32 $_size__tile_overlayer_lowered;
	s7 =	simm.s32 $_tile_overlayer_lowered  }
0x9c: {  	s22 =	simm.s32 $0x1BFF;
	s21 =	sshll.u32 s7, $0x1;
	s4 =	sadd.s32 s5, s19  }
0x9d: {  	s8 =	simm.s32 $0x0;
	s20 =	sshll.u32 s6, $0x1;
	s6 =	sadd.s32 s21, s4  }
0x9e: {  	[timem:s8], [sflag:s22] =	dma.local [hbm:s6], s20  }
0x9f: {  	_ =	swait.ge [sflag:s22], s20  }
0xa0: {  	s5 =	ssub.s32 $0x0, s20;
	[sflag:s22] =	ssyncset.done $0x0  }
0xa1: {  	[sflag:s22] =	ssyncadd.s32 s5;
	_ =	sdelay $0x1  }
0xa2: {  	s23 =	simm.s32 $0x1B8B  }
0xa3: {  	_ =	swait.ge [sflag:s23], $0x1  }
0xa4: {  	[sflag:s23] =	ssyncset.done $0x0  }
0xa5: {  	s25 =	simm.s32 $0x1B8E;
	s24 =	sld [smem:$0x3FFE];
	[sflag:s23] =	ssyncadd.s32 $0xFFFFFFFF  }
0xa6: {  	s26 =	simm.s32 $execute0_lowered;
	[smem:$0x3FD2] =	sst s25  }
0xa7: {  	s6 =	sshll.u32 s26, $0x1;
	_ =	strace $0x80000046;
	[dreg:$0x1] =	wrdreg $0xFFFFFFFF  }
0xa8: {  	s28 =	simm.s32 $_size_execute0_lowered;
	s4 =	sadd.s32 s4, s6;
	[dreg:$0x0] =	wrdreg $0x0  }
0xa9: {  	s6 =	sshll.u32 s28, $0x1;
	[dreg:$0x2] =	wrdreg s4  }
0xaa: {  	[dreg:$0x3] =	wrdreg s6  }
0xab: {  	[dreg:$0x4] =	wrdreg $0xC0  }
0xac: {  	_ =	task [dreg:s8], $0x5FFFF  }
0xad: {  	[dreg:$0x1] =	wrdreg $0xFFFFFFFF  }
0xae: {  	[dreg:$0x0] =	wrdreg $0x60  }
0xaf: {  	[dreg:$0x2] =	wrdreg s2  }
0xb0: {  	[dreg:$0x3] =	wrdreg s24  }
0xb1: {  	[dreg:$0x4] =	wrdreg s18  }
0xb2: {  	[dreg:$0x5] =	wrdreg $0x9  }
0xb3: {  	_ =	task.clear_ibuf [dreg:s8], $0x6FFFF;
	_ =	strace $0x90000046  }
0xb4: {  	s29 =	simm.s32 $0x9;
	_ =	strace $0x80000048  }
0xb5: {  	_ =	swait.ge [sflag:s29], $0x1  }
0xb6: {  	[sflag:s29] =	ssyncadd.s32 $0xFFFFFFFF  }
0xb7: {  	_ =	strace $0x90000048  }
0xb8: {  	_ =	sfence  }
0xb9: {  	s30 =	sld [smem:$0x0];
	_ =	sdelay $0x2  }
0xba: {  	s31 =	sshll.u32 s1, $0xD;
	s1 =	sshrl.u32 s1, $0x2  }
0xbb: {  	s3 =	sand.u32 $0x4000, s31;
	s1 =	sadd.s32 s1, s30  }
0xbc: {  	s0 =	sor.u32 s3, s0;
	s1 =	sshll.u32 s1, $0x11  }
0xbd: {  	s0 =	sor.u32 s1, s0  }
0xbe: {  	s0 =	sadd.s32 $0x8F2B, s0  }
0xbf: {  	[sflag:s0] =	ssyncadd.remote.s32 $0x1  }
0xc0: {  	_ =	sfence.sel $0xFFFF  }
0xc1: {  	[dreg:$0x0] =	wrdreg $0xFFFFFFFF;
	(pc) =	sbr.abs _section_cstart, $3  }
0xc2: {  	[dreg:$0x1] =	wrdreg $0xFFFFFFFF  }
0xc3: {  	_ =	task.clear_ibuf [dreg:s8], $0x2FFFF;
	_ =	strace $0x9FFFFFFF  }
0xc4: {  	(tm) =	ssettm $0x7FFFFFFF  }
0xc5: {  	_ =	shalt  }
tec
execute0_lowered:
.L_overlay_start_1:
0x0: {  	(tag) =	ssettag $0x1  }
0x1: {  	s1 =	rddreg [dreg:$0x0]  }
0x2: {  	s2 =	srdreg.scid;
	s4 =	rddreg [dreg:$0x1]  }
0x3: {  	s0 =	stileid.u32;
	s5 =	rddreg [dreg:$0x2]  }
0x4: {  	s3 =	simm.s32 $0x0;
	s17 =	simm.s32 $0x880;
	s18 =	simm.s32 $0x1080  }
0x5: {  	s19 =	simm.s32 $0x1880;
	s21 =	simm.s32 $0x2080;
	s22 =	simm.s32 $0x2880  }
0x6: {  	s23 =	simm.s32 $0x3080;
	s24 =	simm.s32 $0x3880;
	[smem:$0x7FF] =	sst s3  }
0x7: {  	s8 =	simm.s32 $0x4080;
	_ =	strace $0x80000047;
	[dreg:$0x6] =	wrdreg s17  }
0x8: {  	s25 =	simm.s32 $0x4880;
	s26 =	simm.s32 $0x5080;
	[dreg:$0x7] =	wrdreg s18  }
0x9: {  	s9 =	simm.s32 $0x80;
	s11 =	simm.s32 $0x6080;
	[dreg:$0x8] =	wrdreg s19  }
0xa: {  	s12 =	simm.s32 $0x6880;
	s13 =	simm.s32 $0x7080;
	[dreg:$0x9] =	wrdreg s21  }
0xb: {  	s14 =	simm.s32 $0x7880;
	s15 =	simm.s32 $0x8080;
	[dreg:$0xa] =	wrdreg s22  }
0xc: {  	s28 =	simm.s32 $0xE080;
	s29 =	simm.s32 $0xE880;
	[dreg:$0xb] =	wrdreg s23  }
0xd: {  	s30 =	simm.s32 $0xF080;
	s31 =	simm.s32 $0xF880;
	[dreg:$0xc] =	wrdreg s24  }
0xe: {  	s2 =	sand.u32 $0x1, s2;
	s6 =	sshll.u32 s0, $0x7;
	[dreg:$0xd] =	wrdreg s8  }
0xf: {  	s7 =	sshll.u32 s2, $0x6;
	s2 =	ssub.s32 $0x2, s2;
	[dreg:$0xe] =	wrdreg s25  }
0x10: {  	s8 =	simm.s32 $0x2;
	[dreg:$0xf] =	wrdreg s26;
	s17 =	simm.s32 $0x9080  }
0x11: {  	s18 =	simm.s32 $0x9880;
	s19 =	simm.s32 $0xA080;
	s21 =	simm.s32 $0xB080  }
0x12: {  	s22 =	simm.s32 $0xB880;
	s23 =	simm.s32 $0xC080;
	s24 =	simm.s32 $0xC880  }
0x13: {  	s25 =	simm.s32 $0xD080;
	s26 =	simm.s32 $0xD880;
	s6 =	sor.u32 s7, s6  }
0x14: {  	s20 =	sshrl.u32 s2, $0x1;
	s7 =	sshrl.u32 s6, $0x3;
	s6 =	sshll.u32 s6, $0x7  }
0x15: {  	s2 =	ssub.s32 s2, s20;
	s20 =	simm.s32 $0xA880;
	s4 =	sadd.s32 s4, s7  }
0x16: {  	v2 =	vlaneseq.u32;
	s16 =	sadd.s32 s5, s6;
	s5 =	sadd.s32 $0x200, s1;
	s6 =	sadd.s32 $0x300, s1  }
0x17: {  	vm0 =	vmmov $0xffff;
	v1 =	vshrl.u32 v2, $0x3;
	s7 =	smax.u32 s2, $0x1;
	s2 =	simm.s32 $0x1;
	[dreg:$0x4] =	wrdreg s4  }
0x18: {  	v0 =	vand.u32 $0x7, v2;
	v2 =	vor.u32 $0x8, v2;
	v1 =	vmul.u32 $0x8, v1;
	[dreg:$0x5] =	wrdreg s16;
	s4 =	sadd.s32 $0x100, s1;
	s16 =	simm.s32 $0x8880  }
.LBB2_1:
0x19: {  	s0 =	rddreg [dreg:$0x4]  }
0x1a: {  	[tilespmem:s3], [sflag:$0x2] =	stream.linear.gather [hbm4b:s0+s3], $0x40, $0x38;
	[tilespmem:$0x10080] =	vst v63  }
0x1b: {  	_ =	swait.ge [sflag:s8], $0x40  }
0x1c: {  	[sflag:s8] =	ssyncset.done $0x0  }
0x1d: {  	[sflag:s8] =	ssyncadd.s32 $0xFFFFFFC0  }
0x1e: {  	v3 =	vld [tilespmem:$0x0];
	_ =	sdelay $0x4  }
0x1f: {  	v4 =	vshll.u32 v3, $0x3  }
0x20: {  	v3 =	vand.u32 $0x7, v3;
	v4 =	vand.u32 $0xFFFFFFC0, v4  }
0x21: {  	v3 =	vor.u32 v3, v4  }
0x22: {  	v4 =	vperm.xlane v3, v0;
	_ =	sdelay $0x1  }
0x23: {  	v4 =	vadd.s32 v1, v4;
	_ =	sdelay $0x4  }
0x24: {  	[tilespmem:s9], [sflag:$0x1] =	stream.indirect_vreg.gather [hbm4b:s1+s3], $0x80, v4, vm0, $0xb8;
	[tilespmem:$0x10080] =	vst v63  }
0x25: {  	s0 =	rddreg [dreg:$0x6];
	v3 =	vperm.xlane v3, v2  }
0x26: {  	[tilespmem:s0], [sflag:$0x1] =	stream.indirect_vreg.gather [hbm4b:s4+s3], $0x80, v4, vm0, $0xb8;
	[tilespmem:$0x10080] =	vst v63  }
0x27: {  	s10 =	rddreg [dreg:$0x7];
	v3 =	vadd.s32 v1, v3  }
0x28: {  	[tilespmem:s10], [sflag:$0x1] =	stream.indirect_vreg.gather [hbm4b:s5+s3], $0x80, v4, vm0, $0xb8;
	[tilespmem:$0x10080] =	vst v63  }
0x29: {  	s0 =	rddreg [dreg:$0x8]  }
0x2a: {  	[tilespmem:s0], [sflag:$0x1] =	stream.indirect_vreg.gather [hbm4b:s6+s3], $0x80, v4, vm0, $0xb8;
	[tilespmem:$0x10080] =	vst v63  }
0x2b: {  	s10 =	rddreg [dreg:$0x9]  }
0x2c: {  	[tilespmem:s10], [sflag:$0x1] =	stream.indirect_vreg.gather [hbm4b:s1+s3], $0x80, v3, vm0, $0xb8;
	[tilespmem:$0x10080] =	vst v63  }
0x2d: {  	s0 =	rddreg [dreg:$0xa]  }
0x2e: {  	[tilespmem:s0], [sflag:$0x1] =	stream.indirect_vreg.gather [hbm4b:s4+s3], $0x80, v3, vm0, $0xb8;
	[tilespmem:$0x10080] =	vst v63  }
0x2f: {  	s10 =	rddreg [dreg:$0xb]  }
0x30: {  	[tilespmem:s10], [sflag:$0x1] =	stream.indirect_vreg.gather [hbm4b:s5+s3], $0x80, v3, vm0, $0xb8;
	[tilespmem:$0x10080] =	vst v63  }
0x31: {  	s0 =	rddreg [dreg:$0xc]  }
0x32: {  	[tilespmem:s0], [sflag:$0x1] =	stream.indirect_vreg.gather [hbm4b:s6+s3], $0x80, v3, vm0, $0xb8;
	[tilespmem:$0x10080] =	vst v63  }
0x33: {  	v3 =	vld [tilespmem:$0x10];
	_ =	sdelay $0x4  }
0x34: {  	v61 =	vshll.u32 v3, $0x3  }
0x35: {  	v3 =	vand.u32 $0x7, v3;
	v4 =	vand.u32 $0xFFFFFFC0, v61  }
0x36: {  	v3 =	vor.u32 v3, v4  }
0x37: {  	v4 =	vperm.xlane v3, v0;
	_ =	sdelay $0x1  }
0x38: {  	v4 =	vadd.s32 v1, v4;
	_ =	sdelay $0x3  }
0x39: {  	s0 =	rddreg [dreg:$0xd]  }
0x3a: {  	[tilespmem:s0], [sflag:$0x1] =	stream.indirect_vreg.gather [hbm4b:s1+s3], $0x80, v4, vm0, $0xb8;
	[tilespmem:$0x10080] =	vst v63  }
0x3b: {  	s10 =	rddreg [dreg:$0xe];
	v3 =	vperm.xlane v3, v2  }
0x3c: {  	[tilespmem:s10], [sflag:$0x1] =	stream.indirect_vreg.gather [hbm4b:s4+s3], $0x80, v4, vm0, $0xb8;
	[tilespmem:$0x10080] =	vst v63  }
0x3d: {  	v3 =	vadd.s32 v1, v3;
	s0 =	rddreg [dreg:$0xf]  }
0x3e: {  	[tilespmem:s0], [sflag:$0x1] =	stream.indirect_vreg.gather [hbm4b:s5+s3], $0x80, v4, vm0, $0xb8;
	[tilespmem:$0x10080] =	vst v63  }
0x3f: {  	s10 =	simm.s32 $0x5880  }
0x40: {  	[tilespmem:s10], [sflag:$0x1] =	stream.indirect_vreg.gather [hbm4b:s6+s3], $0x80, v4, vm0, $0xb8;
	[tilespmem:$0x10080] =	vst v63  }
0x41: {  	_ = 	snop  }
0x42: {  	[tilespmem:s11], [sflag:$0x1] =	stream.indirect_vreg.gather [hbm4b:s1+s3], $0x80, v3, vm0, $0xb8;
	[tilespmem:$0x10080] =	vst v63  }
0x43: {  	_ = 	snop  }
0x44: {  	[tilespmem:s12], [sflag:$0x1] =	stream.indirect_vreg.gather [hbm4b:s4+s3], $0x80, v3, vm0, $0xb8;
	[tilespmem:$0x10080] =	vst v63  }
0x45: {  	_ = 	snop  }
0x46: {  	[tilespmem:s13], [sflag:$0x1] =	stream.indirect_vreg.gather [hbm4b:s5+s3], $0x80, v3, vm0, $0xb8;
	[tilespmem:$0x10080] =	vst v63  }
0x47: {  	_ = 	snop  }
0x48: {  	[tilespmem:s14], [sflag:$0x1] =	stream.indirect_vreg.gather [hbm4b:s6+s3], $0x80, v3, vm0, $0xb8;
	[tilespmem:$0x10080] =	vst v63  }
0x49: {  	v3 =	vld [tilespmem:$0x20];
	_ =	sdelay $0x4  }
0x4a: {  	v62 =	vshll.u32 v3, $0x3  }
0x4b: {  	v3 =	vand.u32 $0x7, v3;
	v4 =	vand.u32 $0xFFFFFFC0, v62  }
0x4c: {  	v3 =	vor.u32 v3, v4  }
0x4d: {  	v4 =	vperm.xlane v3, v0;
	_ =	sdelay $0x1  }
0x4e: {  	v4 =	vadd.s32 v1, v4;
	_ =	sdelay $0x4  }
0x4f: {  	[tilespmem:s15], [sflag:$0x1] =	stream.indirect_vreg.gather [hbm4b:s1+s3], $0x80, v4, vm0, $0xb8;
	[tilespmem:$0x10080] =	vst v63  }
0x50: {  	v3 =	vperm.xlane v3, v2  }
0x51: {  	[tilespmem:s16], [sflag:$0x1] =	stream.indirect_vreg.gather [hbm4b:s4+s3], $0x80, v4, vm0, $0xb8;
	[tilespmem:$0x10080] =	vst v63  }
0x52: {  	v3 =	vadd.s32 v1, v3  }
0x53: {  	[tilespmem:s17], [sflag:$0x1] =	stream.indirect_vreg.gather [hbm4b:s5+s3], $0x80, v4, vm0, $0xb8;
	[tilespmem:$0x10080] =	vst v63  }
0x54: {  	_ = 	snop  }
0x55: {  	[tilespmem:s18], [sflag:$0x1] =	stream.indirect_vreg.gather [hbm4b:s6+s3], $0x80, v4, vm0, $0xb8;
	[tilespmem:$0x10080] =	vst v63  }
0x56: {  	_ = 	snop  }
0x57: {  	[tilespmem:s19], [sflag:$0x1] =	stream.indirect_vreg.gather [hbm4b:s1+s3], $0x80, v3, vm0, $0xb8;
	[tilespmem:$0x10080] =	vst v63  }
0x58: {  	_ = 	snop  }
0x59: {  	[tilespmem:s20], [sflag:$0x1] =	stream.indirect_vreg.gather [hbm4b:s4+s3], $0x80, v3, vm0, $0xb8;
	[tilespmem:$0x10080] =	vst v63  }
0x5a: {  	_ = 	snop  }
0x5b: {  	[tilespmem:s21], [sflag:$0x1] =	stream.indirect_vreg.gather [hbm4b:s5+s3], $0x80, v3, vm0, $0xb8;
	[tilespmem:$0x10080] =	vst v63  }
0x5c: {  	_ = 	snop  }
0x5d: {  	[tilespmem:s22], [sflag:$0x1] =	stream.indirect_vreg.gather [hbm4b:s6+s3], $0x80, v3, vm0, $0xb8;
	[tilespmem:$0x10080] =	vst v63  }
0x5e: {  	v3 =	vld [tilespmem:$0x30];
	_ =	sdelay $0x4  }
0x5f: {  	v63 =	vshll.u32 v3, $0x3  }
0x60: {  	v3 =	vand.u32 $0x7, v3;
	v4 =	vand.u32 $0xFFFFFFC0, v63  }
0x61: {  	v3 =	vor.u32 v3, v4  }
0x62: {  	v4 =	vperm.xlane v3, v0;
	_ =	sdelay $0x1  }
0x63: {  	v4 =	vadd.s32 v1, v4;
	_ =	sdelay $0x4  }
0x64: {  	[tilespmem:s23], [sflag:$0x1] =	stream.indirect_vreg.gather [hbm4b:s1+s3], $0x80, v4, vm0, $0xb8;
	[tilespmem:$0x10080] =	vst v63  }
0x65: {  	v3 =	vperm.xlane v3, v2  }
0x66: {  	[tilespmem:s24], [sflag:$0x1] =	stream.indirect_vreg.gather [hbm4b:s4+s3], $0x80, v4, vm0, $0xb8;
	[tilespmem:$0x10080] =	vst v63  }
0x67: {  	v3 =	vadd.s32 v1, v3  }
0x68: {  	[tilespmem:s25], [sflag:$0x1] =	stream.indirect_vreg.gather [hbm4b:s5+s3], $0x80, v4, vm0, $0xb8;
	[tilespmem:$0x10080] =	vst v63  }
0x69: {  	_ = 	snop  }
0x6a: {  	[tilespmem:s26], [sflag:$0x1] =	stream.indirect_vreg.gather [hbm4b:s6+s3], $0x80, v4, vm0, $0xb8;
	[tilespmem:$0x10080] =	vst v63  }
0x6b: {  	_ = 	snop  }
0x6c: {  	[tilespmem:s28], [sflag:$0x1] =	stream.indirect_vreg.gather [hbm4b:s1+s3], $0x80, v3, vm0, $0xb8;
	[tilespmem:$0x10080] =	vst v63  }
0x6d: {  	_ = 	snop  }
0x6e: {  	[tilespmem:s29], [sflag:$0x1] =	stream.indirect_vreg.gather [hbm4b:s4+s3], $0x80, v3, vm0, $0xb8;
	[tilespmem:$0x10080] =	vst v63  }
0x6f: {  	_ = 	snop  }
0x70: {  	[tilespmem:s30], [sflag:$0x1] =	stream.indirect_vreg.gather [hbm4b:s5+s3], $0x80, v3, vm0, $0xb8;
	[tilespmem:$0x10080] =	vst v63  }
0x71: {  	_ = 	snop  }
0x72: {  	[tilespmem:s31], [sflag:$0x1] =	stream.indirect_vreg.gather [hbm4b:s6+s3], $0x80, v3, vm0, $0xb8;
	[tilespmem:$0x10080] =	vst v63  }
0x73: {  	_ =	swait.ge [sflag:s2], $0x10000  }
0x74: {  	p0 =	sne.s32 s7, $0x1;
	[sflag:s2] =	ssyncset.done $0x0  }
.Ltmp0:
0x75: {  	s10 =	rddreg [dreg:$0x5];
	[sflag:s2] =	ssyncadd.s32 $0xFFFF0000;
	(pc) =	sbr.rel @p0 .LBB2_1-.Ltmp0, $4  }
0x76: {  	[hbm4b:s10+s3] =	stream.linear.scatter [tilespmem:s9], [sflag:$0x2], $0x10000, $0x38;
	[tilespmem:$0x10080] =	vst v63  }
0x77: {  	_ =	swait.ge [sflag:s8], $0x10000  }
0x78: {  	[sflag:s8] =	ssyncset.done $0x0  }
0x79: {  	s7 =	sadd.s32 $0xFFFFFFFF, s7;
	[sflag:s8] =	ssyncadd.s32 $0xFFFF0000  }
0x7a: {  	_ =	sfence.sel $0x180000  }
0x7b: {  	[bflag:$0x0] =	sbarrier.arrive $0xFFFF  }
0x7c: {  	_ =	strace $0x90000047  }
0x7d: {  	s0 =	stileid.u32;
	[bflag:$0x2] =	sbarrier.arrive $0xFFFF  }
0x7e: {  	p0 =	sne.s32 s0, $0x0;
	s0 =	rddreg [dreg:$0x3]  }
0x7f: {  	s0 =	sadd.s32 @!p0 $0x100000, s0  }
0x80: {  	[sflag:s0] =	ssyncadd.tile.s32 @!p0 $0x1;
	_ =	shalt  }
.Lfunc_end2:
_tile_overlayer_lowered:
.L_overlay_start_2:
0x81: {  	(tag) =	ssettag $0x2  }
0x82: {  	s0 =	rddreg [dreg:$0x0];
	s2 =	stileid.u32  }
0x83: {  	s1 =	rddreg [dreg:$0x1];
	p0 =	sne.s32 s2, $0x0  }
0x84: {  	s3 =	rddreg [dreg:$0x2];
	[bflag:$0x3] =	sbarrier.arrive $0xFFFF;
	s2 =	simm.s32 @!p0 $0x1C02  }
0x85: {  	[timem:s3], [sflag:s2] =	dma.local @!p0 [hbm:s0], s1  }
0x86: {  	s0 =	simm.s32 @!p0 $0x2  }
0x87: {  	_ =	swait.ge @!p0 [sflag:s0], s1  }
0x88: {  	s1 =	ssub.s32 @!p0 $0x0, s1;
	[sflag:s0] =	ssyncset.done @!p0 $0x0  }
0x89: {  	[sflag:s0] =	ssyncadd.s32 @!p0 s1  }
0x8a: {  	[bflag:$0x3] =	sbarrier.arrive $0xFFFF  }
0x8b: {  	_ =	shalt  }

// kernel: kernel.8.cloned.1.call-start
scs
__scs_entry_jumppad:
0x0: {  	(pc) =	sbr.rel $0x88, $3  }
0x1: {  	(tag) =	ssettag $0x0;
	lr =	simm.s32 $0x1  }
0x2: {  	[smem:$0x3F9C] =	sst lr;
	_ =	strace $0xD0000000  }
0x3: {  	_ = 	snop  }
0x4: {  	_ = 	snop  }
0x5: {  	_ = 	snop  }
0x6: {  	_ = 	snop  }
0x7: {  	_ = 	snop  }
__scs_overlays_trampoline_lowered:
0x8: {  	[smem:$0x3FAB] =	sst s0  }
0x9: {  	[smem:$0x3FAC] =	sst s1  }
0xa: {  	[smem:$0x3FAD] =	sst s2  }
0xb: {  	[smem:$0x3FAE] =	sst s3  }
0xc: {  	[smem:$0x3FAF] =	sst s4  }
0xd: {  	[smem:$0x3FB0] =	sst s5  }
0xe: {  	[smem:$0x3FB1] =	sst s6  }
0xf: {  	[smem:$0x3FB2] =	sst s7  }
0x10: {  	[smem:$0x3FB3] =	sst s8  }
0x11: {  	[smem:$0x3FB4] =	sst s9;
	s0 =	simm.s32 @!p0 $0x0  }
0x12: {  	s1 =	sld [smem:$0x3F9A];
	s0 =	simm.s32 @p0 $0x1  }
0x13: {  	[smem:$0x3FB5] =	sst s0;
	s0 =	simm.s32 @!p1 $0x0  }
0x14: {  	s2 =	sld [smem:$0x3F99];
	s0 =	simm.s32 @p1 $0x1  }
0x15: {  	[smem:$0x3FB6] =	sst s0;
	s0 =	simm.s32 @!p2 $0x0  }
0x16: {  	s3 =	sld [smem:$0x3FDB];
	s0 =	simm.s32 @p2 $0x1  }
0x17: {  	s4 =	simm.s32 $0x1BF5;
	[smem:$0x3FB8] =	sst s0  }
0x18: {  	s0 =	sld [smem:$0x3F9B];
	_ =	swait.ge [sflag:s4], $0x0  }
0x19: {  	s7 =	sld [smem:$0x3F9C]  }
0x1a: {  	s8 =	sadd.s32 $0xFFFFE003, lr  }
0x1b: {  	s9 =	sadd.s32 $0xFFFFFEF7, lr;
	s5 =	simm.s32 $0xFFFFFFFF;
	p2 =	slt.u32 s8, $0xFFFFF086  }
0x1c: {  	p1 =	slt.u32 s9, $0xF7A;
	s5 =	simm.s32 @!p2 $0x0  }
0x1d: {  	s5 =	simm.s32 @p1 $0x1;
	p0 =	seq.s32 s7, s2  }
0x1e: {  	s7 =	smul.u32 @!p0 $0xF7A, s2;
	p2 =	seq.s32 @!p0 s5, $0x0  }
0x1f: {  	s9 =	smul.u32 $0xF7A, s1;
	s8 =	simm.s32 @!p0 $0x1BF5;
	p2 =	por !p2, p0  }
0x20: {  	[sflag:s8] =	ssyncset.s32 @!p0 $0xFFFFF086;
	s6 =	sadd.s32 @!p0 s3, s7;
	s7 =	simm.s32 @!p0 $0x108  }
0x21: {  	s3 =	sadd.s32 s3, s9;
	s6 =	sadd.s32 @!p0 $0x88, s6;
	s7 =	simm.s32 @p2 $0x1082  }
0x22: {  	[simem:s7], [sflag:s8] =	dma.local @!p0 [hbm:s6], $0xF7A  }
0x23: {  	s9 =	sor.u32 $0xD0000000, s2;
	s6 =	simm.s32 $0x108;
	_ =	swait.ge @!p0 [sflag:s8], $0x0  }
0x24: {  	s3 =	sadd.s32 $0x88, s3;
	s6 =	simm.s32 @!p1 $0x1082;
	[sflag:s4] =	ssyncset.s32 $0xFFFFF086  }
0x25: {  	[simem:s6], [sflag:s4] =	dma.local [hbm:s3], $0xF7A  }
0x26: {  	[smem:$0x3F9C] =	sst s1;
	(tag) =	ssettag s2;
	_ =	strace s9  }
0x27: {  	s1 =	sld [smem:$0x3FAC]  }
0x28: {  	s2 =	sld [smem:$0x3FAD]  }
0x29: {  	s4 =	sld [smem:$0x3FAF]  }
0x2a: {  	p0 =	seq.s32 s5, $0x0;
	s5 =	sld [smem:$0x3FB0]  }
0x2b: {  	s6 =	sld [smem:$0x3FB1]  }
0x2c: {  	s7 =	sld [smem:$0x3FB2]  }
0x2d: {  	s3 =	simm.s32 $0x108;
	s8 =	sld [smem:$0x3FB3]  }
0x2e: {  	s3 =	simm.s32 @!p0 $0x1082;
	s9 =	sld [smem:$0x3FB4]  }
0x2f: {  	lr =	sadd.s32 s0, s3;
	s0 =	sld [smem:$0x3FAB]  }
0x30: {  	s3 =	sld [smem:$0x3FAE]  }
0x31: {  	[smem:$0x3FB7] =	sst s10  }
0x32: {  	s10 =	sld [smem:$0x3FB5];
	_ =	sdelay $0x3  }
0x33: {  	p0 =	seq.s32 s10, $0x1;
	s10 =	sld [smem:$0x3FB7];
	_ =	sdelay $0x3  }
0x34: {  	[smem:$0x3FB7] =	sst s10  }
0x35: {  	s10 =	sld [smem:$0x3FB6];
	_ =	sdelay $0x3  }
0x36: {  	p1 =	seq.s32 s10, $0x1;
	s10 =	sld [smem:$0x3FB7];
	_ =	sdelay $0x3  }
0x37: {  	[smem:$0x3FB7] =	sst s10  }
0x38: {  	s10 =	sld [smem:$0x3FB8]  }
0x39: {  	_ = 	snop;
	(pc) =	sbr.ind lr, $3  }
0x3a: {  	_ = 	snop  }
0x3b: {  	_ = 	snop  }
0x3c: {  	p2 =	seq.s32 s10, $0x1;
	s10 =	sld [smem:$0x3FB7]  }
0x3d: {  	_ =	shalt  }
0x3e: {  	_ =	shalt  }
0x3f: {  	_ =	shalt  }
0x40: {  	_ =	shalt  }
0x41: {  	_ =	shalt  }
0x42: {  	_ =	shalt  }
0x43: {  	_ =	shalt  }
0x44: {  	_ =	shalt  }
0x45: {  	_ =	shalt  }
0x46: {  	_ =	shalt  }
0x47: {  	_ =	shalt  }
0x48: {  	_ =	shalt  }
0x49: {  	_ =	shalt  }
0x4a: {  	_ =	shalt  }
0x4b: {  	_ =	shalt  }
0x4c: {  	_ =	shalt  }
0x4d: {  	_ =	shalt  }
0x4e: {  	_ =	shalt  }
0x4f: {  	_ =	shalt  }
0x50: {  	_ =	shalt  }
0x51: {  	_ =	shalt  }
0x52: {  	_ =	shalt  }
0x53: {  	_ =	shalt  }
0x54: {  	_ =	shalt  }
0x55: {  	_ =	shalt  }
0x56: {  	_ =	shalt  }
0x57: {  	_ =	shalt  }
0x58: {  	_ =	shalt  }
0x59: {  	_ =	shalt  }
0x5a: {  	_ =	shalt  }
0x5b: {  	_ =	shalt  }
0x5c: {  	_ =	shalt  }
0x5d: {  	_ =	shalt  }
0x5e: {  	_ =	shalt  }
0x5f: {  	_ =	shalt  }
0x60: {  	_ =	shalt  }
0x61: {  	_ =	shalt  }
0x62: {  	_ =	shalt  }
0x63: {  	_ =	shalt  }
0x64: {  	_ =	shalt  }
0x65: {  	_ =	shalt  }
0x66: {  	_ =	shalt  }
0x67: {  	_ =	shalt  }
0x68: {  	_ =	shalt  }
0x69: {  	_ =	shalt  }
0x6a: {  	_ =	shalt  }
0x6b: {  	_ =	shalt  }
0x6c: {  	_ =	shalt  }
0x6d: {  	_ =	shalt  }
0x6e: {  	_ =	shalt  }
0x6f: {  	_ =	shalt  }
0x70: {  	_ =	shalt  }
0x71: {  	_ =	shalt  }
0x72: {  	_ =	shalt  }
0x73: {  	_ =	shalt  }
0x74: {  	_ =	shalt  }
0x75: {  	_ =	shalt  }
0x76: {  	_ =	shalt  }
0x77: {  	_ =	shalt  }
0x78: {  	_ =	shalt  }
0x79: {  	_ =	shalt  }
0x7a: {  	_ =	shalt  }
0x7b: {  	_ =	shalt  }
0x7c: {  	_ =	shalt  }
0x7d: {  	_ =	shalt  }
0x7e: {  	_ =	shalt  }
0x7f: {  	_ =	shalt  }
0x80: {  	_ =	shalt  }
0x81: {  	_ =	shalt  }
0x82: {  	_ =	shalt  }
0x83: {  	_ =	shalt  }
0x84: {  	_ =	shalt  }
0x85: {  	_ =	shalt  }
0x86: {  	_ =	shalt  }
0x87: {  	_ =	shalt  }
.Lfunc_end0:
.L_simem_size_0:
called_computation.1_lowered:
.L_overlay_start_0:
0x88: {  	s2 =	sld [smem:$0x3FD9]  }
0x89: {  	s3 =	sld [smem:$0x3FFE];
	_ =	sdelay $0x1  }
0x8a: {  	s1 =	srdreg.scid  }
0x8b: {  	s0 =	sand.u32 $0x1, s1  }
0x8c: {  	s17 =	sshll.u32 s0, $0xA;
	s2 =	sadd.s32 s3, s2  }
0x8d: {  	s2 =	sadd.s32 s2, s17  }
0x8e: {  	[smem:$0x3FC3] =	sst s2  }
0x8f: {  	_ = 	snop  }
0x90: {  	s2 =	sld [smem:$0x3FD0];
	(tm) =	ssettm $0x1  }
0x91: {  	s18 =	sld [smem:$0x3FFB];
	_ =	sdelay $0x3  }
0x92: {  	_ =	strace s18  }
0x93: {  	s3 =	sld [smem:$0x3FFC];
	_ =	sdelay $0x3  }
0x94: {  	_ =	strace s3  }
0x95: {  	s3 =	sld [smem:$0x3FFD];
	_ =	sdelay $0x3  }
0x96: {  	_ =	strace s3  }
0x97: {  	_ =	strace $0x8FFFFFFF  }
0x98: {  	s19 =	sld [smem:$0x3FDB];
	_ =	sdelay $0x1  }
0x99: {  	s4 =	simm.s32 $_scs_section_size  }
0x9a: {  	s5 =	simm.s32 $_size__tile_overlayer_lowered;
	s6 =	simm.s32 $_tile_overlayer_lowered  }
0x9b: {  	s22 =	simm.s32 $0x1BFF;
	s21 =	sshll.u32 s6, $0x1;
	s3 =	sadd.s32 s4, s19  }
0x9c: {  	s7 =	simm.s32 $0x0;
	s20 =	sshll.u32 s5, $0x1;
	s5 =	sadd.s32 s21, s3  }
0x9d: {  	[timem:s7], [sflag:s22] =	dma.local [hbm:s5], s20  }
0x9e: {  	_ =	swait.ge [sflag:s22], s20  }
0x9f: {  	s4 =	ssub.s32 $0x0, s20;
	[sflag:s22] =	ssyncset.done $0x0  }
0xa0: {  	[sflag:s22] =	ssyncadd.s32 s4;
	_ =	sdelay $0x1  }
0xa1: {  	s23 =	simm.s32 $0x1B8B  }
0xa2: {  	_ =	swait.ge [sflag:s23], $0x1  }
0xa3: {  	[sflag:s23] =	ssyncset.done $0x0  }
0xa4: {  	s25 =	simm.s32 $0x1B8E;
	s24 =	sld [smem:$0x3FFE];
	[sflag:s23] =	ssyncadd.s32 $0xFFFFFFFF  }
0xa5: {  	s26 =	simm.s32 $execute0_lowered;
	[smem:$0x3FD2] =	sst s25  }
0xa6: {  	s5 =	sshll.u32 s26, $0x1;
	_ =	strace $0x80000049;
	[dreg:$0x1] =	wrdreg $0xFFFFFFFF  }
0xa7: {  	s28 =	simm.s32 $_size_execute0_lowered;
	s3 =	sadd.s32 s3, s5;
	[dreg:$0x0] =	wrdreg $0x0  }
0xa8: {  	s5 =	sshll.u32 s28, $0x1;
	[dreg:$0x2] =	wrdreg s3  }
0xa9: {  	[dreg:$0x3] =	wrdreg s5  }
0xaa: {  	[dreg:$0x4] =	wrdreg $0xC0  }
0xab: {  	_ =	task [dreg:s7], $0x5FFFF  }
0xac: {  	[dreg:$0x1] =	wrdreg $0xFFFFFFFF  }
0xad: {  	[dreg:$0x0] =	wrdreg $0x60  }
0xae: {  	[dreg:$0x2] =	wrdreg s24  }
0xaf: {  	[dreg:$0x3] =	wrdreg s2  }
0xb0: {  	[dreg:$0x4] =	wrdreg $0x9  }
0xb1: {  	_ =	task.clear_ibuf [dreg:s7], $0x5FFFF;
	_ =	strace $0x90000049  }
0xb2: {  	s29 =	simm.s32 $0x9;
	_ =	strace $0x8000004B  }
0xb3: {  	_ =	swait.ge [sflag:s29], $0x1  }
0xb4: {  	[sflag:s29] =	ssyncadd.s32 $0xFFFFFFFF  }
0xb5: {  	_ =	strace $0x9000004B  }
0xb6: {  	_ =	sfence  }
0xb7: {  	s30 =	sld [smem:$0x0];
	_ =	sdelay $0x2  }
0xb8: {  	s31 =	sshll.u32 s1, $0xD;
	s1 =	sshrl.u32 s1, $0x2  }
0xb9: {  	s3 =	sand.u32 $0x4000, s31;
	s1 =	sadd.s32 s1, s30  }
0xba: {  	s0 =	sor.u32 s3, s0;
	s1 =	sshll.u32 s1, $0x11  }
0xbb: {  	s0 =	sor.u32 s1, s0  }
0xbc: {  	s0 =	sadd.s32 $0x8F2B, s0  }
0xbd: {  	[sflag:s0] =	ssyncadd.remote.s32 $0x1  }
0xbe: {  	_ =	sfence.sel $0xFFFF  }
0xbf: {  	[dreg:$0x0] =	wrdreg $0xFFFFFFFF;
	(pc) =	sbr.abs _section_cstart, $3  }
0xc0: {  	[dreg:$0x1] =	wrdreg $0xFFFFFFFF  }
0xc1: {  	_ =	task.clear_ibuf [dreg:s7], $0x2FFFF;
	_ =	strace $0x9FFFFFFF  }
0xc2: {  	(tm) =	ssettm $0x7FFFFFFF  }
0xc3: {  	_ =	shalt  }
tec
execute0_lowered:
.L_overlay_start_1:
0x0: {  	(tag) =	ssettag $0x1  }
0x1: {  	s1 =	srdreg.scid;
	s4 =	rddreg [dreg:$0x0]  }
0x2: {  	s0 =	stileid.u32;
	s2 =	rddreg [dreg:$0x1];
	s3 =	simm.s32 $0x0  }
0x3: {  	s18 =	simm.s32 $0x880;
	s19 =	simm.s32 $0x1080;
	s20 =	simm.s32 $0x1880  }
0x4: {  	s22 =	simm.s32 $0x2080;
	s23 =	simm.s32 $0x2880;
	s24 =	simm.s32 $0x3080  }
0x5: {  	s7 =	simm.s32 $0x3880;
	s8 =	simm.s32 $0x4080;
	[smem:$0x7FF] =	sst s3  }
0x6: {  	s25 =	simm.s32 $0x4880;
	_ =	strace $0x8000004A;
	[dreg:$0x5] =	wrdreg s18  }
0x7: {  	s26 =	simm.s32 $0x5080;
	s9 =	simm.s32 $0x80;
	[dreg:$0x6] =	wrdreg s19  }
0x8: {  	s11 =	simm.s32 $0x6080;
	s12 =	simm.s32 $0x6880;
	[dreg:$0x7] =	wrdreg s20  }
0x9: {  	s13 =	simm.s32 $0x7080;
	s14 =	simm.s32 $0x7880;
	[dreg:$0x8] =	wrdreg s22  }
0xa: {  	s15 =	simm.s32 $0x8080;
	s16 =	simm.s32 $0x8880;
	[dreg:$0x9] =	wrdreg s23  }
0xb: {  	s28 =	simm.s32 $0xE080;
	s29 =	simm.s32 $0xE880;
	[dreg:$0xa] =	wrdreg s24  }
0xc: {  	s30 =	simm.s32 $0xF080;
	s31 =	simm.s32 $0xF880;
	[dreg:$0xb] =	wrdreg s7  }
0xd: {  	s1 =	sand.u32 $0x1, s1;
	s5 =	sshll.u32 s0, $0x7;
	[dreg:$0xc] =	wrdreg s8  }
0xe: {  	s6 =	sshll.u32 s1, $0x6;
	s1 =	ssub.s32 $0x2, s1;
	[dreg:$0xd] =	wrdreg s25  }
0xf: {  	s8 =	simm.s32 $0x2;
	[dreg:$0xe] =	wrdreg s26;
	s18 =	simm.s32 $0x9880  }
0x10: {  	s19 =	simm.s32 $0xA080;
	s20 =	simm.s32 $0xA880;
	s22 =	simm.s32 $0xB880  }
0x11: {  	s23 =	simm.s32 $0xC080;
	s24 =	simm.s32 $0xC880;
	s25 =	simm.s32 $0xD080  }
0x12: {  	s26 =	simm.s32 $0xD880;
	s5 =	sor.u32 s6, s5;
	s21 =	sshrl.u32 s1, $0x1  }
0x13: {  	s6 =	sshll.u32 s5, $0x7;
	s5 =	sshrl.u32 s5, $0x3;
	s1 =	ssub.s32 s1, s21  }
0x14: {  	s21 =	simm.s32 $0xB080;
	s6 =	sadd.s32 s6, s4;
	s4 =	sadd.s32 s4, s5  }
0x15: {  	v2 =	vlaneseq.u32;
	s5 =	sadd.s32 $0x200, s2;
	s7 =	smax.u32 s1, $0x1;
	s1 =	simm.s32 $0x1  }
0x16: {  	vm0 =	vmmov $0xffff;
	v1 =	vshrl.u32 v2, $0x3;
	[dreg:$0x3] =	wrdreg s4;
	s17 =	sadd.s32 $0x200, s6;
	s4 =	sadd.s32 $0x100, s2  }
0x17: {  	v0 =	vand.u32 $0x7, v2;
	v2 =	vor.u32 $0x8, v2;
	v1 =	vmul.u32 $0x8, v1;
	s6 =	sadd.s32 $0x300, s2;
	[dreg:$0x4] =	wrdreg s17;
	s17 =	simm.s32 $0x9080  }
.LBB2_1:
0x18: {  	s0 =	rddreg [dreg:$0x3]  }
0x19: {  	[tilespmem:s3], [sflag:$0x2] =	stream.linear.gather [hbm4b:s0+s3], $0x40, $0x38;
	[tilespmem:$0x10080] =	vst v63  }
0x1a: {  	_ =	swait.ge [sflag:s8], $0x40  }
0x1b: {  	[sflag:s8] =	ssyncset.done $0x0  }
0x1c: {  	s10 =	rddreg [dreg:$0x4];
	[sflag:s8] =	ssyncadd.s32 $0xFFFFFFC0  }
0x1d: {  	[tilespmem:s9], [sflag:$0x2] =	stream.linear.gather [hbm4b:s10+s3], $0x10000, $0x38;
	[tilespmem:$0x10080] =	vst v63  }
0x1e: {  	_ =	swait.ge [sflag:s8], $0x10000  }
0x1f: {  	[sflag:s8] =	ssyncset.done $0x0  }
0x20: {  	[sflag:s8] =	ssyncadd.s32 $0xFFFF0000  }
0x21: {  	v3 =	vld [tilespmem:$0x0];
	_ =	sdelay $0x4  }
0x22: {  	v4 =	vshll.u32 v3, $0x3  }
0x23: {  	v3 =	vand.u32 $0x7, v3;
	v4 =	vand.u32 $0xFFFFFFC0, v4  }
0x24: {  	v3 =	vor.u32 v3, v4  }
0x25: {  	v4 =	vperm.xlane v3, v0;
	_ =	sdelay $0x1  }
0x26: {  	v4 =	vadd.s32 v1, v4;
	_ =	sdelay $0x4  }
0x27: {  	[hbm4b:s2+s3] =	stream.indirect_vreg.scatter [tilespmem:s9], [sflag:$0x1], $0x80, v4, vm0, $0xb8;
	[tilespmem:$0x10080] =	vst v63  }
0x28: {  	s0 =	rddreg [dreg:$0x5];
	v3 =	vperm.xlane v3, v2  }
0x29: {  	[hbm4b:s4+s3] =	stream.indirect_vreg.scatter [tilespmem:s0], [sflag:$0x1], $0x80, v4, vm0, $0xb8;
	[tilespmem:$0x10080] =	vst v63  }
0x2a: {  	s10 =	rddreg [dreg:$0x6];
	v3 =	vadd.s32 v1, v3  }
0x2b: {  	[hbm4b:s5+s3] =	stream.indirect_vreg.scatter [tilespmem:s10], [sflag:$0x1], $0x80, v4, vm0, $0xb8;
	[tilespmem:$0x10080] =	vst v63  }
0x2c: {  	s0 =	rddreg [dreg:$0x7]  }
0x2d: {  	[hbm4b:s6+s3] =	stream.indirect_vreg.scatter [tilespmem:s0], [sflag:$0x1], $0x80, v4, vm0, $0xb8;
	[tilespmem:$0x10080] =	vst v63  }
0x2e: {  	s10 =	rddreg [dreg:$0x8]  }
0x2f: {  	[hbm4b:s2+s3] =	stream.indirect_vreg.scatter [tilespmem:s10], [sflag:$0x1], $0x80, v3, vm0, $0xb8;
	[tilespmem:$0x10080] =	vst v63  }
0x30: {  	s0 =	rddreg [dreg:$0x9]  }
0x31: {  	[hbm4b:s4+s3] =	stream.indirect_vreg.scatter [tilespmem:s0], [sflag:$0x1], $0x80, v3, vm0, $0xb8;
	[tilespmem:$0x10080] =	vst v63  }
0x32: {  	s10 =	rddreg [dreg:$0xa]  }
0x33: {  	[hbm4b:s5+s3] =	stream.indirect_vreg.scatter [tilespmem:s10], [sflag:$0x1], $0x80, v3, vm0, $0xb8;
	[tilespmem:$0x10080] =	vst v63  }
0x34: {  	s0 =	rddreg [dreg:$0xb]  }
0x35: {  	[hbm4b:s6+s3] =	stream.indirect_vreg.scatter [tilespmem:s0], [sflag:$0x1], $0x80, v3, vm0, $0xb8;
	[tilespmem:$0x10080] =	vst v63  }
0x36: {  	v3 =	vld [tilespmem:$0x10];
	_ =	sdelay $0x4  }
0x37: {  	v61 =	vshll.u32 v3, $0x3  }
0x38: {  	v3 =	vand.u32 $0x7, v3;
	v4 =	vand.u32 $0xFFFFFFC0, v61  }
0x39: {  	v3 =	vor.u32 v3, v4  }
0x3a: {  	v4 =	vperm.xlane v3, v0;
	_ =	sdelay $0x1  }
0x3b: {  	v4 =	vadd.s32 v1, v4;
	_ =	sdelay $0x3  }
0x3c: {  	s0 =	rddreg [dreg:$0xc]  }
0x3d: {  	[hbm4b:s2+s3] =	stream.indirect_vreg.scatter [tilespmem:s0], [sflag:$0x1], $0x80, v4, vm0, $0xb8;
	[tilespmem:$0x10080] =	vst v63  }
0x3e: {  	s10 =	rddreg [dreg:$0xd];
	v3 =	vperm.xlane v3, v2  }
0x3f: {  	[hbm4b:s4+s3] =	stream.indirect_vreg.scatter [tilespmem:s10], [sflag:$0x1], $0x80, v4, vm0, $0xb8;
	[tilespmem:$0x10080] =	vst v63  }
0x40: {  	v3 =	vadd.s32 v1, v3;
	s0 =	rddreg [dreg:$0xe]  }
0x41: {  	[hbm4b:s5+s3] =	stream.indirect_vreg.scatter [tilespmem:s0], [sflag:$0x1], $0x80, v4, vm0, $0xb8;
	[tilespmem:$0x10080] =	vst v63  }
0x42: {  	s10 =	simm.s32 $0x5880  }
0x43: {  	[hbm4b:s6+s3] =	stream.indirect_vreg.scatter [tilespmem:s10], [sflag:$0x1], $0x80, v4, vm0, $0xb8;
	[tilespmem:$0x10080] =	vst v63  }
0x44: {  	_ = 	snop  }
0x45: {  	[hbm4b:s2+s3] =	stream.indirect_vreg.scatter [tilespmem:s11], [sflag:$0x1], $0x80, v3, vm0, $0xb8;
	[tilespmem:$0x10080] =	vst v63  }
0x46: {  	_ = 	snop  }
0x47: {  	[hbm4b:s4+s3] =	stream.indirect_vreg.scatter [tilespmem:s12], [sflag:$0x1], $0x80, v3, vm0, $0xb8;
	[tilespmem:$0x10080] =	vst v63  }
0x48: {  	_ = 	snop  }
0x49: {  	[hbm4b:s5+s3] =	stream.indirect_vreg.scatter [tilespmem:s13], [sflag:$0x1], $0x80, v3, vm0, $0xb8;
	[tilespmem:$0x10080] =	vst v63  }
0x4a: {  	_ = 	snop  }
0x4b: {  	[hbm4b:s6+s3] =	stream.indirect_vreg.scatter [tilespmem:s14], [sflag:$0x1], $0x80, v3, vm0, $0xb8;
	[tilespmem:$0x10080] =	vst v63  }
0x4c: {  	v3 =	vld [tilespmem:$0x20];
	_ =	sdelay $0x4  }
0x4d: {  	v62 =	vshll.u32 v3, $0x3  }
0x4e: {  	v3 =	vand.u32 $0x7, v3;
	v4 =	vand.u32 $0xFFFFFFC0, v62  }
0x4f: {  	v3 =	vor.u32 v3, v4  }
0x50: {  	v4 =	vperm.xlane v3, v0;
	_ =	sdelay $0x1  }
0x51: {  	v4 =	vadd.s32 v1, v4;
	_ =	sdelay $0x4  }
0x52: {  	[hbm4b:s2+s3] =	stream.indirect_vreg.scatter [tilespmem:s15], [sflag:$0x1], $0x80, v4, vm0, $0xb8;
	[tilespmem:$0x10080] =	vst v63  }
0x53: {  	v3 =	vperm.xlane v3, v2  }
0x54: {  	[hbm4b:s4+s3] =	stream.indirect_vreg.scatter [tilespmem:s16], [sflag:$0x1], $0x80, v4, vm0, $0xb8;
	[tilespmem:$0x10080] =	vst v63  }
0x55: {  	v3 =	vadd.s32 v1, v3  }
0x56: {  	[hbm4b:s5+s3] =	stream.indirect_vreg.scatter [tilespmem:s17], [sflag:$0x1], $0x80, v4, vm0, $0xb8;
	[tilespmem:$0x10080] =	vst v63  }
0x57: {  	_ = 	snop  }
0x58: {  	[hbm4b:s6+s3] =	stream.indirect_vreg.scatter [tilespmem:s18], [sflag:$0x1], $0x80, v4, vm0, $0xb8;
	[tilespmem:$0x10080] =	vst v63  }
0x59: {  	_ = 	snop  }
0x5a: {  	[hbm4b:s2+s3] =	stream.indirect_vreg.scatter [tilespmem:s19], [sflag:$0x1], $0x80, v3, vm0, $0xb8;
	[tilespmem:$0x10080] =	vst v63  }
0x5b: {  	_ = 	snop  }
0x5c: {  	[hbm4b:s4+s3] =	stream.indirect_vreg.scatter [tilespmem:s20], [sflag:$0x1], $0x80, v3, vm0, $0xb8;
	[tilespmem:$0x10080] =	vst v63  }
0x5d: {  	_ = 	snop  }
0x5e: {  	[hbm4b:s5+s3] =	stream.indirect_vreg.scatter [tilespmem:s21], [sflag:$0x1], $0x80, v3, vm0, $0xb8;
	[tilespmem:$0x10080] =	vst v63  }
0x5f: {  	_ = 	snop  }
0x60: {  	[hbm4b:s6+s3] =	stream.indirect_vreg.scatter [tilespmem:s22], [sflag:$0x1], $0x80, v3, vm0, $0xb8;
	[tilespmem:$0x10080] =	vst v63  }
0x61: {  	v3 =	vld [tilespmem:$0x30];
	_ =	sdelay $0x4  }
0x62: {  	v63 =	vshll.u32 v3, $0x3  }
0x63: {  	v3 =	vand.u32 $0x7, v3;
	v4 =	vand.u32 $0xFFFFFFC0, v63  }
0x64: {  	v3 =	vor.u32 v3, v4  }
0x65: {  	v4 =	vperm.xlane v3, v0;
	_ =	sdelay $0x1  }
0x66: {  	v4 =	vadd.s32 v1, v4;
	_ =	sdelay $0x4  }
0x67: {  	[hbm4b:s2+s3] =	stream.indirect_vreg.scatter [tilespmem:s23], [sflag:$0x1], $0x80, v4, vm0, $0xb8;
	[tilespmem:$0x10080] =	vst v63  }
0x68: {  	v3 =	vperm.xlane v3, v2  }
0x69: {  	[hbm4b:s4+s3] =	stream.indirect_vreg.scatter [tilespmem:s24], [sflag:$0x1], $0x80, v4, vm0, $0xb8;
	[tilespmem:$0x10080] =	vst v63  }
0x6a: {  	v3 =	vadd.s32 v1, v3  }
0x6b: {  	[hbm4b:s5+s3] =	stream.indirect_vreg.scatter [tilespmem:s25], [sflag:$0x1], $0x80, v4, vm0, $0xb8;
	[tilespmem:$0x10080] =	vst v63  }
0x6c: {  	_ = 	snop  }
0x6d: {  	[hbm4b:s6+s3] =	stream.indirect_vreg.scatter [tilespmem:s26], [sflag:$0x1], $0x80, v4, vm0, $0xb8;
	[tilespmem:$0x10080] =	vst v63  }
0x6e: {  	_ = 	snop  }
0x6f: {  	[hbm4b:s2+s3] =	stream.indirect_vreg.scatter [tilespmem:s28], [sflag:$0x1], $0x80, v3, vm0, $0xb8;
	[tilespmem:$0x10080] =	vst v63  }
0x70: {  	_ = 	snop  }
0x71: {  	[hbm4b:s4+s3] =	stream.indirect_vreg.scatter [tilespmem:s29], [sflag:$0x1], $0x80, v3, vm0, $0xb8;
	[tilespmem:$0x10080] =	vst v63  }
0x72: {  	p0 =	sne.s32 s7, $0x1  }
0x73: {  	[hbm4b:s5+s3] =	stream.indirect_vreg.scatter [tilespmem:s30], [sflag:$0x1], $0x80, v3, vm0, $0xb8;
	[tilespmem:$0x10080] =	vst v63  }
.Ltmp0:
0x74: {  	_ = 	snop;
	(pc) =	sbr.rel @p0 .LBB2_1-.Ltmp0, $4  }
0x75: {  	[hbm4b:s6+s3] =	stream.indirect_vreg.scatter [tilespmem:s31], [sflag:$0x1], $0x80, v3, vm0, $0xb8;
	[tilespmem:$0x10080] =	vst v63  }
0x76: {  	_ =	swait.ge [sflag:s1], $0x10000  }
0x77: {  	[sflag:s1] =	ssyncset.done $0x0  }
0x78: {  	s7 =	sadd.s32 $0xFFFFFFFF, s7;
	[sflag:s1] =	ssyncadd.s32 $0xFFFF0000  }
0x79: {  	_ =	sfence.sel $0x180000  }
0x7a: {  	[bflag:$0x0] =	sbarrier.arrive $0xFFFF  }
0x7b: {  	_ =	strace $0x9000004A  }
0x7c: {  	s0 =	stileid.u32;
	[bflag:$0x2] =	sbarrier.arrive $0xFFFF  }
0x7d: {  	p0 =	sne.s32 s0, $0x0;
	s0 =	rddreg [dreg:$0x2]  }
0x7e: {  	s0 =	sadd.s32 @!p0 $0x100000, s0  }
0x7f: {  	[sflag:s0] =	ssyncadd.tile.s32 @!p0 $0x1;
	_ =	shalt  }
.Lfunc_end2:
_tile_overlayer_lowered:
.L_overlay_start_2:
0x80: {  	(tag) =	ssettag $0x2  }
0x81: {  	s0 =	rddreg [dreg:$0x0];
	s2 =	stileid.u32  }
0x82: {  	s1 =	rddreg [dreg:$0x1];
	p0 =	sne.s32 s2, $0x0  }
0x83: {  	s3 =	rddreg [dreg:$0x2];
	[bflag:$0x3] =	sbarrier.arrive $0xFFFF;
	s2 =	simm.s32 @!p0 $0x1C02  }
0x84: {  	[timem:s3], [sflag:s2] =	dma.local @!p0 [hbm:s0], s1  }
0x85: {  	s0 =	simm.s32 @!p0 $0x2  }
0x86: {  	_ =	swait.ge @!p0 [sflag:s0], s1  }
0x87: {  	s1 =	ssub.s32 @!p0 $0x0, s1;
	[sflag:s0] =	ssyncset.done @!p0 $0x0  }
0x88: {  	[sflag:s0] =	ssyncadd.s32 @!p0 s1  }
0x89: {  	[bflag:$0x3] =	sbarrier.arrive $0xFFFF  }
0x8a: {  	_ =	shalt  }

</sc_bundles>
